<compile_context>
chip_gen: v7x
topology: tpu7x:2x2x1
jax: 0.10.2.dev20260603
libtpu: 0.0.44.dev20260713+nightly
codegen_flags: <defaults>
</compile_context>

<pallas_src>
import jax
import jax.numpy as jnp
from jax import lax
from jax.experimental import pallas as pl
from jax.experimental.pallas import tpu as pltpu
from jax.experimental.pallas import tpu_sc as plsc

N = 10000
IN_DIM = 128
HID = 64
E = 320000

_RB = 2000
_MB = 400


def _proj_body(x_ref, w_ref, b_ref, o_ref):
    o_ref[...] = (
        jnp.dot(x_ref[...], w_ref[...], preferred_element_type=jnp.float32)
        + b_ref[...]
    )


def _input_proj(x, W, b):
    grid = (N // _RB,)
    return pl.pallas_call(
        _proj_body,
        grid=grid,
        in_specs=[
            pl.BlockSpec((_RB, IN_DIM), lambda i: (i, 0)),
            pl.BlockSpec((IN_DIM, HID), lambda i: (0, 0)),
            pl.BlockSpec((1, HID), lambda i: (0, 0)),
        ],
        out_specs=pl.BlockSpec((_RB, HID), lambda i: (i, 0)),
        out_shape=jax.ShapeDtypeStruct((N, HID), jnp.float32),
        compiler_params=pltpu.CompilerParams(
            dimension_semantics=("parallel",),
        ),
    )(x, W, b.reshape(1, HID))


def _gin_mlp_body(h_ref, acc_ref, w1_ref, b1_ref, w2_ref, b2_ref, o_ref):
    z = acc_ref[0] + acc_ref[1] - h_ref[...]
    z = jax.nn.relu(
        jnp.dot(z, w1_ref[...], preferred_element_type=jnp.float32) + b1_ref[...]
    )
    o_ref[...] = (
        jnp.dot(z, w2_ref[...], preferred_element_type=jnp.float32) + b2_ref[...]
    )


def _gin_mlp(h, acc, W1, b1, W2, b2, out_dim):
    grid = (N // _RB,)
    return pl.pallas_call(
        _gin_mlp_body,
        grid=grid,
        in_specs=[
            pl.BlockSpec((_RB, HID), lambda i: (i, 0)),
            pl.BlockSpec((2, _RB, HID), lambda i: (0, i, 0)),
            pl.BlockSpec((HID, HID), lambda i: (0, 0)),
            pl.BlockSpec((1, HID), lambda i: (0, 0)),
            pl.BlockSpec((HID, out_dim), lambda i: (0, 0)),
            pl.BlockSpec((1, out_dim), lambda i: (0, 0)),
        ],
        out_specs=pl.BlockSpec((_RB, out_dim), lambda i: (i, 0)),
        out_shape=jax.ShapeDtypeStruct((N, out_dim), jnp.float32),
        compiler_params=pltpu.CompilerParams(
            dimension_semantics=("parallel",),
        ),
    )(h, acc, W1, b1.reshape(1, HID), W2, b2.reshape(1, out_dim))


def _gram_body(a_ref, b_ref, o_ref):
    o_ref[...] = jax.lax.dot_general(
        a_ref[...],
        b_ref[...],
        (((1,), (1,)), ((), ())),
        preferred_element_type=jnp.float32,
    )


def _gram(emb):
    grid = (N // _MB,)
    return pl.pallas_call(
        _gram_body,
        grid=grid,
        in_specs=[
            pl.BlockSpec((_MB, HID), lambda i: (i, 0)),
            pl.BlockSpec((N, HID), lambda i: (0, 0)),
        ],
        out_specs=pl.BlockSpec((_MB, N), lambda i: (i, 0)),
        out_shape=jax.ShapeDtypeStruct((N, N), jnp.float32),
        compiler_params=pltpu.CompilerParams(
            dimension_semantics=("parallel",),
        ),
    )(emb, emb)



_NC = 2
_NS = 16
_SW = 80
_ET = E // (_NC * _NS)
_SR = _ET // _SW
_PH = 5
_PR = _SR // _PH
_RT = 624
_RT_LAST = N - 15 * _RT


def _seg_body(tab_hbm, edge_hbm, out_hbm, tab_sh, acc_sh, src_v, dst_v, rows_a, rows_b, sem_a, sem_b, sem_sa, sem_sb):
    c = lax.axis_index("c")
    s = lax.axis_index("s")

    @pl.when(s < 15)
    def _():
        r0 = s * _RT
        pltpu.sync_copy(tab_hbm.at[pl.ds(r0, _RT)], tab_sh.at[pl.ds(r0, _RT)])
        pltpu.sync_copy(tab_hbm.at[pl.ds(r0, _RT)], acc_sh.at[pl.ds(r0, _RT)])

    @pl.when(s == 15)
    def _():
        r0 = 15 * _RT
        pltpu.sync_copy(tab_hbm.at[pl.ds(r0, _RT_LAST)], tab_sh.at[pl.ds(r0, _RT_LAST)])
        pltpu.sync_copy(tab_hbm.at[pl.ds(r0, _RT_LAST)], acc_sh.at[pl.ds(r0, _RT_LAST)])

    w = c * _NS + s
    plsc.subcore_barrier()

    def phase(p, carry):
        pltpu.sync_copy(edge_hbm.at[0, w, p], src_v)
        pltpu.sync_copy(edge_hbm.at[1, w, p], dst_v)
        pltpu.async_copy(tab_sh.at[src_v.at[0]], rows_a, sem_a)

        def step(j, c2):
            nxt = j + 1
            prv = j - 1
            in_n = nxt < _PR

            @pl.when(jnp.logical_and(in_n, jnp.logical_and(prv >= 0, lax.rem(nxt, 2) == 0)))
            def _():
                pltpu.make_async_copy(rows_a, acc_sh.at[dst_v.at[prv]], sem_sa).wait()

            @pl.when(jnp.logical_and(in_n, jnp.logical_and(prv >= 0, lax.rem(nxt, 2) == 1)))
            def _():
                pltpu.make_async_copy(rows_b, acc_sh.at[dst_v.at[prv]], sem_sb).wait()

            @pl.when(jnp.logical_and(in_n, lax.rem(nxt, 2) == 0))
            def _():
                pltpu.async_copy(tab_sh.at[src_v.at[nxt]], rows_a, sem_a)

            @pl.when(jnp.logical_and(in_n, lax.rem(nxt, 2) == 1))
            def _():
                pltpu.async_copy(tab_sh.at[src_v.at[nxt]], rows_b, sem_b)

            @pl.when(lax.rem(j, 2) == 0)
            def _():
                pltpu.make_async_copy(tab_sh.at[src_v.at[j]], rows_a, sem_a).wait()
                pltpu.async_copy(rows_a, acc_sh.at[dst_v.at[j]], sem_sa, add=True)

            @pl.when(lax.rem(j, 2) == 1)
            def _():
                pltpu.make_async_copy(tab_sh.at[src_v.at[j]], rows_b, sem_b).wait()
                pltpu.async_copy(rows_b, acc_sh.at[dst_v.at[j]], sem_sb, add=True)

            return c2

        lax.fori_loop(0, _PR, step, 0)
        pltpu.make_async_copy(rows_b, acc_sh.at[dst_v.at[_PR - 2]], sem_sb).wait()
        pltpu.make_async_copy(rows_a, acc_sh.at[dst_v.at[_PR - 1]], sem_sa).wait()
        return carry

    lax.fori_loop(0, _PH, phase, 0)
    plsc.subcore_barrier()

    @pl.when(s < 15)
    def _():
        r0 = s * _RT
        pltpu.sync_copy(acc_sh.at[pl.ds(r0, _RT)], out_hbm.at[c, pl.ds(r0, _RT)])

    @pl.when(s == 15)
    def _():
        r0 = 15 * _RT
        pltpu.sync_copy(acc_sh.at[pl.ds(r0, _RT_LAST)], out_hbm.at[c, pl.ds(r0, _RT_LAST)])


_seg_sc = pl.kernel(
    _seg_body,
    out_type=jax.ShapeDtypeStruct((_NC, N, HID), jnp.float32),
    mesh=plsc.VectorSubcoreMesh(core_axis_name="c", subcore_axis_name="s"),
    scratch_types=[
        pltpu.VMEM_SHARED((N, HID), jnp.float32),
        pltpu.VMEM_SHARED((N, HID), jnp.float32),
        pltpu.VMEM((_PR, _SW), jnp.int32),
        pltpu.VMEM((_PR, _SW), jnp.int32),
        pltpu.VMEM((_SW, HID), jnp.float32),
        pltpu.VMEM((_SW, HID), jnp.float32),
        pltpu.SemaphoreType.DMA,
        pltpu.SemaphoreType.DMA,
        pltpu.SemaphoreType.DMA,
        pltpu.SemaphoreType.DMA,
    ],
    compiler_params=pltpu.CompilerParams(use_tc_tiling_on_sc=False),
)


def kernel(x, edge_index, W_lin, b_lin, W_e1, b_e1, W_e2, b_e2, W_d1, b_d1, W_d2, b_d2):
    edges = edge_index.reshape(2, _NC * _NS, _PH, _PR, _SW)
    h = _input_proj(x, W_lin, b_lin)
    acc1 = _seg_sc(h, edges)
    emb = _gin_mlp(h, acc1, W_e1, b_e1, W_e2, b_e2, HID)
    acc2 = _seg_sc(emb, edges)
    x_ = _gin_mlp(emb, acc2, W_d1, b_d1, W_d2, b_d2, IN_DIM)
    s_ = _gram(emb)
    return (x_, s_)

# --- scband reference (transcript-rebuilt; emitter-appended) ---
"""Pipeline reference for scband-gadnrbase-23536420782173 (READ-ONLY COPY).

The authoritative reference and input builder live on the scoring server;
editing this copy changes nothing except your own understanding.
"""

import jax, jax.numpy as jnp
import numpy as np

N = 10000
IN_DIM = 128
HID = 64
E = 320000


def setup_inputs(seed: int = 0) -> dict:
    key = jax.random.key(seed)
    ks = jax.random.split(key, 12)
    s = 0.1
    inp = {}
    inp["x"] = jax.random.normal(ks[0], (N, IN_DIM), dtype=jnp.float32)
    inp["edge_index"] = jax.random.randint(ks[1], (2, E), 0, N, dtype=jnp.int32)
    # input projection (nn.Linear(in_dim, hid_dim))
    inp["W_lin"] = jax.random.normal(ks[2], (IN_DIM, HID), dtype=jnp.float32) * s
    inp["b_lin"] = jnp.zeros((HID,), jnp.float32)
    # shared GIN encoder layer (encoder_layers = floor(num_layers/2) = 1), MLP hid->hid->hid
    inp["W_e1"] = jax.random.normal(ks[3], (HID, HID), dtype=jnp.float32) * s
    inp["b_e1"] = jnp.zeros((HID,), jnp.float32)
    inp["W_e2"] = jax.random.normal(ks[4], (HID, HID), dtype=jnp.float32) * s
    inp["b_e2"] = jnp.zeros((HID,), jnp.float32)
    # attribute decoder GIN layer (decoder_layers = ceil(num_layers/2) = 1), MLP hid->hid->in_dim
    inp["W_d1"] = jax.random.normal(ks[5], (HID, HID), dtype=jnp.float32) * s
    inp["b_d1"] = jnp.zeros((HID,), jnp.float32)
    inp["W_d2"] = jax.random.normal(ks[6], (HID, IN_DIM), dtype=jnp.float32) * s
    inp["b_d2"] = jnp.zeros((IN_DIM,), jnp.float32)
    return inp


def _gin_layer(h, src, dst, W1, b1, W2, b2, num_nodes):
    # GIN conv with eps=0: MLP(h + sum_{j in N(i)} h_j)
    agg = jax.ops.segment_sum(h[src], dst, num_segments=num_nodes)
    z = h + agg
    z = jax.nn.relu(z @ W1 + b1)
    return z @ W2 + b2


def reference(x, edge_index, W_lin, b_lin, W_e1, b_e1, W_e2, b_e2, W_d1, b_d1, W_d2, b_d2):
    src = edge_index[0]
    dst = edge_index[1]
    # x = self.linear(x)
    h = x @ W_lin + b_lin
    # self.emb = self.shared_encoder(x, edge_index)  (GIN backbone, 1 layer)
    emb = _gin_layer(h, src, dst, W_e1, b_e1, W_e2, b_e2, N)
    # x_ = self.attr_decoder(self.emb, edge_index)  (GNN decoder reconstructing attributes)
    x_ = _gin_layer(emb, src, dst, W_d1, b_d1, W_d2, b_d2, N)
    # s_ = self.struct_decoder(self.emb, edge_index)  (inner-product adjacency reconstruction,
    # sigmoid_s=False per default)
    s_ = emb @ emb.T
    return (x_, s_)

if __name__ == "__main__":
    import jax
    _d = setup_inputs()
    print(jax.jit(kernel)(*tuple(_d.values())))

</pallas_src>

<mosaic_0001>
#map = affine_map<(d0, d1) -> (0, 0)>
#map1 = affine_map<(d0, d1) -> (0, 0, 0, 0, 0)>
#map2 = affine_map<(d0, d1) -> (0, 0, 0)>
module attributes {stable_mosaic.version = 14 : i64} {
  func.func @_seg_body(%arg0: i32, %arg1: i32, %arg2: memref<10000x64xf32, #tpu.memory_space<hbm>>, %arg3: memref<2x32x5x25x80xi32, #tpu.memory_space<hbm>>, %arg4: memref<2x10000x64xf32, #tpu.memory_space<hbm>>, %arg5: memref<10000x64xf32, #tpu.memory_space<vmem_shared>>, %arg6: memref<10000x64xf32, #tpu.memory_space<vmem_shared>>, %arg7: memref<25x80xi32, #tpu.memory_space<vmem>>, %arg8: memref<25x80xi32, #tpu.memory_space<vmem>>, %arg9: memref<80x64xf32, #tpu.memory_space<vmem>>, %arg10: memref<80x64xf32, #tpu.memory_space<vmem>>, %arg11: memref<!tpu.dma_semaphore, #tpu.memory_space<semaphore_mem>>, %arg12: memref<!tpu.dma_semaphore, #tpu.memory_space<semaphore_mem>>, %arg13: memref<!tpu.dma_semaphore, #tpu.memory_space<semaphore_mem>>, %arg14: memref<!tpu.dma_semaphore, #tpu.memory_space<semaphore_mem>>) attributes {dimension_semantics = [#tpu.dimension_semantics<core_parallel>, #tpu.dimension_semantics<subcore_parallel>], iteration_bounds = array<i64: 2, 16>, scalar_prefetch = 0 : i64, scratch_operands = 10 : i64, tpu.core_type = #tpu.core_type<sc_vector_subcore>, window_params = [{transform_indices = #map}, {transform_indices = #map1}, {transform_indices = #map2}]} {
    %lt3A = arith.constant 15 : i32
    %lt3A_0 = arith.cmpi slt, %arg1, %lt3A : i32
    %convert_element_type3A = arith.extui %lt3A_0 : i1 to i32
    %cond3A = arith.constant 0 : i32
    %cond3A_1 = arith.cmpi ne, %convert_element_type3A, %cond3A : i32
    scf.if %cond3A_1 {
      %mul3A_23 = arith.constant 624 : i32
      %mul3A_24 = arith.muli %arg1, %mul3A_23 : i32
      "tpu.region"() ({
        %run_scoped3A = tpu.sem_alloc : memref<!tpu.dma_semaphore, #tpu.memory_space<semaphore_mem>>
        %dma_start3A = arith.constant 0 : i32
        %dma_start3A_25 = tpu.memref_slice %arg5[%mul3A_24, %dma_start3A] : memref<10000x64xf32, #tpu.memory_space<vmem_shared>> -> memref<624x64xf32, #tpu.memory_space<vmem_shared>>
        %dma_start3A_26 = arith.constant 0 : i32
        %dma_start3A_27 = tpu.memref_slice %arg2[%mul3A_24, %dma_start3A_26] : memref<10000x64xf32, #tpu.memory_space<hbm>> -> memref<624x64xf32, #tpu.memory_space<hbm>>
        tpu.enqueue_dma source(%dma_start3A_27 : memref<624x64xf32, #tpu.memory_space<hbm>>) target(%dma_start3A_25 : memref<624x64xf32, #tpu.memory_space<vmem_shared>>) target_semaphore(%run_scoped3A : memref<!tpu.dma_semaphore, #tpu.memory_space<semaphore_mem>>)
        %dma_wait3A = arith.constant 0 : i32
        %dma_wait3A_28 = tpu.memref_slice %arg5[%mul3A_24, %dma_wait3A] : memref<10000x64xf32, #tpu.memory_space<vmem_shared>> -> memref<624x64xf32, #tpu.memory_space<vmem_shared>>
        %dma_wait3A_29 = arith.constant 0 : i32
        %dma_wait3A_30 = tpu.memref_slice %arg2[%mul3A_24, %dma_wait3A_29] : memref<10000x64xf32, #tpu.memory_space<hbm>> -> memref<624x64xf32, #tpu.memory_space<hbm>>
        tpu.wait_dma2 semaphore(%run_scoped3A : memref<!tpu.dma_semaphore, #tpu.memory_space<semaphore_mem>>) src(%dma_wait3A_30 : memref<624x64xf32, #tpu.memory_space<hbm>>) dst(%dma_wait3A_28 : memref<624x64xf32, #tpu.memory_space<vmem_shared>>)
        tpu.yield
      }) : () -> ()
      "tpu.region"() ({
        %run_scoped3A = tpu.sem_alloc : memref<!tpu.dma_semaphore, #tpu.memory_space<semaphore_mem>>
        %dma_start3A = arith.constant 0 : i32
        %dma_start3A_25 = tpu.memref_slice %arg6[%mul3A_24, %dma_start3A] : memref<10000x64xf32, #tpu.memory_space<vmem_shared>> -> memref<624x64xf32, #tpu.memory_space<vmem_shared>>
        %dma_start3A_26 = arith.constant 0 : i32
        %dma_start3A_27 = tpu.memref_slice %arg2[%mul3A_24, %dma_start3A_26] : memref<10000x64xf32, #tpu.memory_space<hbm>> -> memref<624x64xf32, #tpu.memory_space<hbm>>
        tpu.enqueue_dma source(%dma_start3A_27 : memref<624x64xf32, #tpu.memory_space<hbm>>) target(%dma_start3A_25 : memref<624x64xf32, #tpu.memory_space<vmem_shared>>) target_semaphore(%run_scoped3A : memref<!tpu.dma_semaphore, #tpu.memory_space<semaphore_mem>>)
        %dma_wait3A = arith.constant 0 : i32
        %dma_wait3A_28 = tpu.memref_slice %arg6[%mul3A_24, %dma_wait3A] : memref<10000x64xf32, #tpu.memory_space<vmem_shared>> -> memref<624x64xf32, #tpu.memory_space<vmem_shared>>
        %dma_wait3A_29 = arith.constant 0 : i32
        %dma_wait3A_30 = tpu.memref_slice %arg2[%mul3A_24, %dma_wait3A_29] : memref<10000x64xf32, #tpu.memory_space<hbm>> -> memref<624x64xf32, #tpu.memory_space<hbm>>
        tpu.wait_dma2 semaphore(%run_scoped3A : memref<!tpu.dma_semaphore, #tpu.memory_space<semaphore_mem>>) src(%dma_wait3A_30 : memref<624x64xf32, #tpu.memory_space<hbm>>) dst(%dma_wait3A_28 : memref<624x64xf32, #tpu.memory_space<vmem_shared>>)
        tpu.yield
      }) : () -> ()
    } else {
    }
    %eq3A = arith.constant 15 : i32
    %eq3A_2 = arith.cmpi eq, %arg1, %eq3A : i32
    %convert_element_type3A_3 = arith.extui %eq3A_2 : i1 to i32
    %cond3A_4 = arith.constant 0 : i32
    %cond3A_5 = arith.cmpi ne, %convert_element_type3A_3, %cond3A_4 : i32
    scf.if %cond3A_5 {
      "tpu.region"() ({
        %run_scoped3A = tpu.sem_alloc : memref<!tpu.dma_semaphore, #tpu.memory_space<semaphore_mem>>
        %dma_start3A = arith.constant 9360 : i32
        %dma_start3A_23 = arith.constant 0 : i32
        %dma_start3A_24 = tpu.memref_slice %arg5[%dma_start3A, %dma_start3A_23] : memref<10000x64xf32, #tpu.memory_space<vmem_shared>> -> memref<640x64xf32, #tpu.memory_space<vmem_shared>>
        %dma_start3A_25 = arith.constant 9360 : i32
        %dma_start3A_26 = arith.constant 0 : i32
        %dma_start3A_27 = tpu.memref_slice %arg2[%dma_start3A_25, %dma_start3A_26] : memref<10000x64xf32, #tpu.memory_space<hbm>> -> memref<640x64xf32, #tpu.memory_space<hbm>>
        tpu.enqueue_dma source(%dma_start3A_27 : memref<640x64xf32, #tpu.memory_space<hbm>>) target(%dma_start3A_24 : memref<640x64xf32, #tpu.memory_space<vmem_shared>>) target_semaphore(%run_scoped3A : memref<!tpu.dma_semaphore, #tpu.memory_space<semaphore_mem>>)
        %dma_wait3A = arith.constant 9360 : i32
        %dma_wait3A_28 = arith.constant 0 : i32
        %dma_wait3A_29 = tpu.memref_slice %arg5[%dma_wait3A, %dma_wait3A_28] : memref<10000x64xf32, #tpu.memory_space<vmem_shared>> -> memref<640x64xf32, #tpu.memory_space<vmem_shared>>
        %dma_wait3A_30 = arith.constant 9360 : i32
        %dma_wait3A_31 = arith.constant 0 : i32
        %dma_wait3A_32 = tpu.memref_slice %arg2[%dma_wait3A_30, %dma_wait3A_31] : memref<10000x64xf32, #tpu.memory_space<hbm>> -> memref<640x64xf32, #tpu.memory_space<hbm>>
        tpu.wait_dma2 semaphore(%run_scoped3A : memref<!tpu.dma_semaphore, #tpu.memory_space<semaphore_mem>>) src(%dma_wait3A_32 : memref<640x64xf32, #tpu.memory_space<hbm>>) dst(%dma_wait3A_29 : memref<640x64xf32, #tpu.memory_space<vmem_shared>>)
        tpu.yield
      }) : () -> ()
      "tpu.region"() ({
        %run_scoped3A = tpu.sem_alloc : memref<!tpu.dma_semaphore, #tpu.memory_space<semaphore_mem>>
        %dma_start3A = arith.constant 9360 : i32
        %dma_start3A_23 = arith.constant 0 : i32
        %dma_start3A_24 = tpu.memref_slice %arg6[%dma_start3A, %dma_start3A_23] : memref<10000x64xf32, #tpu.memory_space<vmem_shared>> -> memref<640x64xf32, #tpu.memory_space<vmem_shared>>
        %dma_start3A_25 = arith.constant 9360 : i32
        %dma_start3A_26 = arith.constant 0 : i32
        %dma_start3A_27 = tpu.memref_slice %arg2[%dma_start3A_25, %dma_start3A_26] : memref<10000x64xf32, #tpu.memory_space<hbm>> -> memref<640x64xf32, #tpu.memory_space<hbm>>
        tpu.enqueue_dma source(%dma_start3A_27 : memref<640x64xf32, #tpu.memory_space<hbm>>) target(%dma_start3A_24 : memref<640x64xf32, #tpu.memory_space<vmem_shared>>) target_semaphore(%run_scoped3A : memref<!tpu.dma_semaphore, #tpu.memory_space<semaphore_mem>>)
        %dma_wait3A = arith.constant 9360 : i32
        %dma_wait3A_28 = arith.constant 0 : i32
        %dma_wait3A_29 = tpu.memref_slice %arg6[%dma_wait3A, %dma_wait3A_28] : memref<10000x64xf32, #tpu.memory_space<vmem_shared>> -> memref<640x64xf32, #tpu.memory_space<vmem_shared>>
        %dma_wait3A_30 = arith.constant 9360 : i32
        %dma_wait3A_31 = arith.constant 0 : i32
        %dma_wait3A_32 = tpu.memref_slice %arg2[%dma_wait3A_30, %dma_wait3A_31] : memref<10000x64xf32, #tpu.memory_space<hbm>> -> memref<640x64xf32, #tpu.memory_space<hbm>>
        tpu.wait_dma2 semaphore(%run_scoped3A : memref<!tpu.dma_semaphore, #tpu.memory_space<semaphore_mem>>) src(%dma_wait3A_32 : memref<640x64xf32, #tpu.memory_space<hbm>>) dst(%dma_wait3A_29 : memref<640x64xf32, #tpu.memory_space<vmem_shared>>)
        tpu.yield
      }) : () -> ()
    } else {
    }
    %mul3A = arith.constant 16 : i32
    %mul3A_6 = arith.muli %arg0, %mul3A : i32
    %add3A = arith.addi %mul3A_6, %arg1 : i32
    %barrier3A = arith.constant 0 : index
    tpu.barrier barrier_id(%barrier3A)
    %scan3A = arith.constant 0 : i32
    %scan3A_7 = arith.constant 0 : i32
    %scan3A_8 = arith.constant 5 : i32
    %scan3A_9 = arith.addi %scan3A_7, %scan3A_8 : i32
    %scan3A_10 = arith.constant 1 : i32
    scf.for %scan3A_23 = %scan3A_7 to %scan3A_9 step %scan3A_10  : i32 {
      %run_scoped3A = arith.constant 0 : i32
      "tpu.region"() ({
        %run_scoped3A_50 = tpu.sem_alloc : memref<!tpu.dma_semaphore, #tpu.memory_space<semaphore_mem>>
        %dma_start3A_51 = arith.constant 0 : i32
        %dma_start3A_52 = arith.constant 0 : i32
        %dma_start3A_53 = tpu.memref_slice %arg3[%run_scoped3A, %add3A, %scan3A_23, %dma_start3A_51, %dma_start3A_52] : memref<2x32x5x25x80xi32, #tpu.memory_space<hbm>> -> memref<1x1x1x25x80xi32, #tpu.memory_space<hbm>>
        %dma_start3A_54 = tpu.memref_squeeze %dma_start3A_53 : memref<1x1x1x25x80xi32, #tpu.memory_space<hbm>> -> memref<25x80xi32, #tpu.memory_space<hbm>>
        %dma_start3A_55 = arith.constant 0 : i32
        %dma_start3A_56 = arith.constant 0 : i32
        %dma_start3A_57 = tpu.memref_slice %arg3[%run_scoped3A, %add3A, %scan3A_23, %dma_start3A_55, %dma_start3A_56] : memref<2x32x5x25x80xi32, #tpu.memory_space<hbm>> -> memref<1x1x1x25x80xi32, #tpu.memory_space<hbm>>
        %dma_start3A_58 = tpu.memref_squeeze %dma_start3A_57 : memref<1x1x1x25x80xi32, #tpu.memory_space<hbm>> -> memref<25x80xi32, #tpu.memory_space<hbm>>
        tpu.enqueue_dma source(%dma_start3A_58 : memref<25x80xi32, #tpu.memory_space<hbm>>) target(%arg7 : memref<25x80xi32, #tpu.memory_space<vmem>>) target_semaphore(%run_scoped3A_50 : memref<!tpu.dma_semaphore, #tpu.memory_space<semaphore_mem>>)
        %dma_wait3A_59 = arith.constant 0 : i32
        %dma_wait3A_60 = arith.constant 0 : i32
        %dma_wait3A_61 = tpu.memref_slice %arg3[%run_scoped3A, %add3A, %scan3A_23, %dma_wait3A_59, %dma_wait3A_60] : memref<2x32x5x25x80xi32, #tpu.memory_space<hbm>> -> memref<1x1x1x25x80xi32, #tpu.memory_space<hbm>>
        %dma_wait3A_62 = tpu.memref_squeeze %dma_wait3A_61 : memref<1x1x1x25x80xi32, #tpu.memory_space<hbm>> -> memref<25x80xi32, #tpu.memory_space<hbm>>
        %dma_wait3A_63 = arith.constant 0 : i32
        %dma_wait3A_64 = arith.constant 0 : i32
        %dma_wait3A_65 = tpu.memref_slice %arg3[%run_scoped3A, %add3A, %scan3A_23, %dma_wait3A_63, %dma_wait3A_64] : memref<2x32x5x25x80xi32, #tpu.memory_space<hbm>> -> memref<1x1x1x25x80xi32, #tpu.memory_space<hbm>>
        %dma_wait3A_66 = tpu.memref_squeeze %dma_wait3A_65 : memref<1x1x1x25x80xi32, #tpu.memory_space<hbm>> -> memref<25x80xi32, #tpu.memory_space<hbm>>
        tpu.wait_dma2 semaphore(%run_scoped3A_50 : memref<!tpu.dma_semaphore, #tpu.memory_space<semaphore_mem>>) src(%dma_wait3A_66 : memref<25x80xi32, #tpu.memory_space<hbm>>) dst(%arg7 : memref<25x80xi32, #tpu.memory_space<vmem>>)
        tpu.yield
      }) : () -> ()
      %run_scoped3A_24 = arith.constant 1 : i32
      "tpu.region"() ({
        %run_scoped3A_50 = tpu.sem_alloc : memref<!tpu.dma_semaphore, #tpu.memory_space<semaphore_mem>>
        %dma_start3A_51 = arith.constant 0 : i32
        %dma_start3A_52 = arith.constant 0 : i32
        %dma_start3A_53 = tpu.memref_slice %arg3[%run_scoped3A_24, %add3A, %scan3A_23, %dma_start3A_51, %dma_start3A_52] : memref<2x32x5x25x80xi32, #tpu.memory_space<hbm>> -> memref<1x1x1x25x80xi32, #tpu.memory_space<hbm>>
        %dma_start3A_54 = tpu.memref_squeeze %dma_start3A_53 : memref<1x1x1x25x80xi32, #tpu.memory_space<hbm>> -> memref<25x80xi32, #tpu.memory_space<hbm>>
        %dma_start3A_55 = arith.constant 0 : i32
        %dma_start3A_56 = arith.constant 0 : i32
        %dma_start3A_57 = tpu.memref_slice %arg3[%run_scoped3A_24, %add3A, %scan3A_23, %dma_start3A_55, %dma_start3A_56] : memref<2x32x5x25x80xi32, #tpu.memory_space<hbm>> -> memref<1x1x1x25x80xi32, #tpu.memory_space<hbm>>
        %dma_start3A_58 = tpu.memref_squeeze %dma_start3A_57 : memref<1x1x1x25x80xi32, #tpu.memory_space<hbm>> -> memref<25x80xi32, #tpu.memory_space<hbm>>
        tpu.enqueue_dma source(%dma_start3A_58 : memref<25x80xi32, #tpu.memory_space<hbm>>) target(%arg8 : memref<25x80xi32, #tpu.memory_space<vmem>>) target_semaphore(%run_scoped3A_50 : memref<!tpu.dma_semaphore, #tpu.memory_space<semaphore_mem>>)
        %dma_wait3A_59 = arith.constant 0 : i32
        %dma_wait3A_60 = arith.constant 0 : i32
        %dma_wait3A_61 = tpu.memref_slice %arg3[%run_scoped3A_24, %add3A, %scan3A_23, %dma_wait3A_59, %dma_wait3A_60] : memref<2x32x5x25x80xi32, #tpu.memory_space<hbm>> -> memref<1x1x1x25x80xi32, #tpu.memory_space<hbm>>
        %dma_wait3A_62 = tpu.memref_squeeze %dma_wait3A_61 : memref<1x1x1x25x80xi32, #tpu.memory_space<hbm>> -> memref<25x80xi32, #tpu.memory_space<hbm>>
        %dma_wait3A_63 = arith.constant 0 : i32
        %dma_wait3A_64 = arith.constant 0 : i32
        %dma_wait3A_65 = tpu.memref_slice %arg3[%run_scoped3A_24, %add3A, %scan3A_23, %dma_wait3A_63, %dma_wait3A_64] : memref<2x32x5x25x80xi32, #tpu.memory_space<hbm>> -> memref<1x1x1x25x80xi32, #tpu.memory_space<hbm>>
        %dma_wait3A_66 = tpu.memref_squeeze %dma_wait3A_65 : memref<1x1x1x25x80xi32, #tpu.memory_space<hbm>> -> memref<25x80xi32, #tpu.memory_space<hbm>>
        tpu.wait_dma2 semaphore(%run_scoped3A_50 : memref<!tpu.dma_semaphore, #tpu.memory_space<semaphore_mem>>) src(%dma_wait3A_66 : memref<25x80xi32, #tpu.memory_space<hbm>>) dst(%arg8 : memref<25x80xi32, #tpu.memory_space<vmem>>)
        tpu.yield
      }) : () -> ()
      %dma_start3A = arith.constant 0 : i32
      %dma_start3A_25 = arith.constant 0 : i32
      %dma_start3A_26 = tpu.memref_slice %arg7[%dma_start3A, %dma_start3A_25] : memref<25x80xi32, #tpu.memory_space<vmem>> -> memref<1x80xi32, #tpu.memory_space<vmem>>
      %dma_start3A_27 = tpu.memref_squeeze %dma_start3A_26 : memref<1x80xi32, #tpu.memory_space<vmem>> -> memref<80xi32, #tpu.memory_space<vmem>>
      %dma_start3A_28 = arith.constant 0 : i32
      %dma_start3A_29 = arith.constant 0 : i32
      %dma_start3A_30 = tpu.memref_slice %arg5[%dma_start3A_28, %dma_start3A_29] : memref<10000x64xf32, #tpu.memory_space<vmem_shared>> -> memref<10000x64xf32, #tpu.memory_space<vmem_shared>>
      tpu.enqueue_indirect_dma source(%dma_start3A_30 : memref<10000x64xf32, #tpu.memory_space<vmem_shared>>) target(%arg9 : memref<80x64xf32, #tpu.memory_space<vmem>>) offsets(%dma_start3A_27 : memref<80xi32, #tpu.memory_space<vmem>>) semaphore(%arg11 : memref<!tpu.dma_semaphore, #tpu.memory_space<semaphore_mem>>)
      %scan3A_31 = arith.constant 0 : i32
      %scan3A_32 = arith.constant 0 : i32
      %scan3A_33 = arith.constant 25 : i32
      %scan3A_34 = arith.addi %scan3A_32, %scan3A_33 : i32
      %scan3A_35 = arith.constant 1 : i32
      scf.for %scan3A_50 = %scan3A_32 to %scan3A_34 step %scan3A_35  : i32 {
        %add3A_51 = arith.constant 1 : i32
        %add3A_52 = arith.addi %scan3A_50, %add3A_51 : i32
        %sub3A = arith.constant 1 : i32
        %sub3A_53 = arith.subi %scan3A_50, %sub3A : i32
        %lt3A_54 = arith.constant 25 : i32
        %lt3A_55 = arith.cmpi slt, %add3A_52, %lt3A_54 : i32
        %ge3A = arith.constant 0 : i32
        %ge3A_56 = arith.cmpi sge, %sub3A_53, %ge3A : i32
        %rem3A = arith.constant 2 : i32
        %rem3A_57 = arith.remsi %add3A_52, %rem3A : i32
        %eq3A_58 = arith.constant 0 : i32
        %eq3A_59 = arith.cmpi eq, %rem3A_57, %eq3A_58 : i32
        %and3A = arith.andi %ge3A_56, %eq3A_59 : i1
        %and3A_60 = arith.andi %lt3A_55, %and3A : i1
        %convert_element_type3A_61 = arith.extui %and3A_60 : i1 to i32
        %cond3A_62 = arith.constant 0 : i32
        %cond3A_63 = arith.cmpi ne, %convert_element_type3A_61, %cond3A_62 : i32
        scf.if %cond3A_63 {
          %dma_wait3A_105 = arith.constant 0 : i32
          %dma_wait3A_106 = tpu.memref_slice %arg8[%sub3A_53, %dma_wait3A_105] : memref<25x80xi32, #tpu.memory_space<vmem>> -> memref<1x80xi32, #tpu.memory_space<vmem>>
          %dma_wait3A_107 = tpu.memref_squeeze %dma_wait3A_106 : memref<1x80xi32, #tpu.memory_space<vmem>> -> memref<80xi32, #tpu.memory_space<vmem>>
          %dma_wait3A_108 = arith.constant 0 : i32
          %dma_wait3A_109 = arith.constant 0 : i32
          %dma_wait3A_110 = tpu.memref_slice %arg6[%dma_wait3A_108, %dma_wait3A_109] : memref<10000x64xf32, #tpu.memory_space<vmem_shared>> -> memref<10000x64xf32, #tpu.memory_space<vmem_shared>>
          tpu.wait_indirect_dma semaphore(%arg13 : memref<!tpu.dma_semaphore, #tpu.memory_space<semaphore_mem>>) src(%arg9 : memref<80x64xf32, #tpu.memory_space<vmem>>) dst(%dma_wait3A_110 : memref<10000x64xf32, #tpu.memory_space<vmem_shared>>)
        } else {
        }
        %ge3A_64 = arith.constant 0 : i32
        %ge3A_65 = arith.cmpi sge, %sub3A_53, %ge3A_64 : i32
        %rem3A_66 = arith.constant 2 : i32
        %rem3A_67 = arith.remsi %add3A_52, %rem3A_66 : i32
        %eq3A_68 = arith.constant 1 : i32
        %eq3A_69 = arith.cmpi eq, %rem3A_67, %eq3A_68 : i32
        %and3A_70 = arith.andi %ge3A_65, %eq3A_69 : i1
        %and3A_71 = arith.andi %lt3A_55, %and3A_70 : i1
        %convert_element_type3A_72 = arith.extui %and3A_71 : i1 to i32
        %cond3A_73 = arith.constant 0 : i32
        %cond3A_74 = arith.cmpi ne, %convert_element_type3A_72, %cond3A_73 : i32
        scf.if %cond3A_74 {
          %dma_wait3A_105 = arith.constant 0 : i32
          %dma_wait3A_106 = tpu.memref_slice %arg8[%sub3A_53, %dma_wait3A_105] : memref<25x80xi32, #tpu.memory_space<vmem>> -> memref<1x80xi32, #tpu.memory_space<vmem>>
          %dma_wait3A_107 = tpu.memref_squeeze %dma_wait3A_106 : memref<1x80xi32, #tpu.memory_space<vmem>> -> memref<80xi32, #tpu.memory_space<vmem>>
          %dma_wait3A_108 = arith.constant 0 : i32
          %dma_wait3A_109 = arith.constant 0 : i32
          %dma_wait3A_110 = tpu.memref_slice %arg6[%dma_wait3A_108, %dma_wait3A_109] : memref<10000x64xf32, #tpu.memory_space<vmem_shared>> -> memref<10000x64xf32, #tpu.memory_space<vmem_shared>>
          tpu.wait_indirect_dma semaphore(%arg14 : memref<!tpu.dma_semaphore, #tpu.memory_space<semaphore_mem>>) src(%arg10 : memref<80x64xf32, #tpu.memory_space<vmem>>) dst(%dma_wait3A_110 : memref<10000x64xf32, #tpu.memory_space<vmem_shared>>)
        } else {
        }
        %rem3A_75 = arith.constant 2 : i32
        %rem3A_76 = arith.remsi %add3A_52, %rem3A_75 : i32
        %eq3A_77 = arith.constant 0 : i32
        %eq3A_78 = arith.cmpi eq, %rem3A_76, %eq3A_77 : i32
        %and3A_79 = arith.andi %lt3A_55, %eq3A_78 : i1
        %convert_element_type3A_80 = arith.extui %and3A_79 : i1 to i32
        %cond3A_81 = arith.constant 0 : i32
        %cond3A_82 = arith.cmpi ne, %convert_element_type3A_80, %cond3A_81 : i32
        scf.if %cond3A_82 {
          %dma_start3A_105 = arith.constant 0 : i32
          %dma_start3A_106 = tpu.memref_slice %arg7[%add3A_52, %dma_start3A_105] : memref<25x80xi32, #tpu.memory_space<vmem>> -> memref<1x80xi32, #tpu.memory_space<vmem>>
          %dma_start3A_107 = tpu.memref_squeeze %dma_start3A_106 : memref<1x80xi32, #tpu.memory_space<vmem>> -> memref<80xi32, #tpu.memory_space<vmem>>
          %dma_start3A_108 = arith.constant 0 : i32
          %dma_start3A_109 = arith.constant 0 : i32
          %dma_start3A_110 = tpu.memref_slice %arg5[%dma_start3A_108, %dma_start3A_109] : memref<10000x64xf32, #tpu.memory_space<vmem_shared>> -> memref<10000x64xf32, #tpu.memory_space<vmem_shared>>
          tpu.enqueue_indirect_dma source(%dma_start3A_110 : memref<10000x64xf32, #tpu.memory_space<vmem_shared>>) target(%arg9 : memref<80x64xf32, #tpu.memory_space<vmem>>) offsets(%dma_start3A_107 : memref<80xi32, #tpu.memory_space<vmem>>) semaphore(%arg11 : memref<!tpu.dma_semaphore, #tpu.memory_space<semaphore_mem>>)
        } else {
        }
        %rem3A_83 = arith.constant 2 : i32
        %rem3A_84 = arith.remsi %add3A_52, %rem3A_83 : i32
        %eq3A_85 = arith.constant 1 : i32
        %eq3A_86 = arith.cmpi eq, %rem3A_84, %eq3A_85 : i32
        %and3A_87 = arith.andi %lt3A_55, %eq3A_86 : i1
        %convert_element_type3A_88 = arith.extui %and3A_87 : i1 to i32
        %cond3A_89 = arith.constant 0 : i32
        %cond3A_90 = arith.cmpi ne, %convert_element_type3A_88, %cond3A_89 : i32
        scf.if %cond3A_90 {
          %dma_start3A_105 = arith.constant 0 : i32
          %dma_start3A_106 = tpu.memref_slice %arg7[%add3A_52, %dma_start3A_105] : memref<25x80xi32, #tpu.memory_space<vmem>> -> memref<1x80xi32, #tpu.memory_space<vmem>>
          %dma_start3A_107 = tpu.memref_squeeze %dma_start3A_106 : memref<1x80xi32, #tpu.memory_space<vmem>> -> memref<80xi32, #tpu.memory_space<vmem>>
          %dma_start3A_108 = arith.constant 0 : i32
          %dma_start3A_109 = arith.constant 0 : i32
          %dma_start3A_110 = tpu.memref_slice %arg5[%dma_start3A_108, %dma_start3A_109] : memref<10000x64xf32, #tpu.memory_space<vmem_shared>> -> memref<10000x64xf32, #tpu.memory_space<vmem_shared>>
          tpu.enqueue_indirect_dma source(%dma_start3A_110 : memref<10000x64xf32, #tpu.memory_space<vmem_shared>>) target(%arg10 : memref<80x64xf32, #tpu.memory_space<vmem>>) offsets(%dma_start3A_107 : memref<80xi32, #tpu.memory_space<vmem>>) semaphore(%arg12 : memref<!tpu.dma_semaphore, #tpu.memory_space<semaphore_mem>>)
        } else {
        }
        %rem3A_91 = arith.constant 2 : i32
        %rem3A_92 = arith.remsi %scan3A_50, %rem3A_91 : i32
        %eq3A_93 = arith.constant 0 : i32
        %eq3A_94 = arith.cmpi eq, %rem3A_92, %eq3A_93 : i32
        %convert_element_type3A_95 = arith.extui %eq3A_94 : i1 to i32
        %cond3A_96 = arith.constant 0 : i32
        %cond3A_97 = arith.cmpi ne, %convert_element_type3A_95, %cond3A_96 : i32
        scf.if %cond3A_97 {
          %dma_wait3A_105 = arith.constant 0 : i32
          %dma_wait3A_106 = tpu.memref_slice %arg7[%scan3A_50, %dma_wait3A_105] : memref<25x80xi32, #tpu.memory_space<vmem>> -> memref<1x80xi32, #tpu.memory_space<vmem>>
          %dma_wait3A_107 = tpu.memref_squeeze %dma_wait3A_106 : memref<1x80xi32, #tpu.memory_space<vmem>> -> memref<80xi32, #tpu.memory_space<vmem>>
          %dma_wait3A_108 = arith.constant 0 : i32
          %dma_wait3A_109 = arith.constant 0 : i32
          %dma_wait3A_110 = tpu.memref_slice %arg5[%dma_wait3A_108, %dma_wait3A_109] : memref<10000x64xf32, #tpu.memory_space<vmem_shared>> -> memref<10000x64xf32, #tpu.memory_space<vmem_shared>>
          tpu.wait_indirect_dma semaphore(%arg11 : memref<!tpu.dma_semaphore, #tpu.memory_space<semaphore_mem>>) src(%dma_wait3A_110 : memref<10000x64xf32, #tpu.memory_space<vmem_shared>>) dst(%arg9 : memref<80x64xf32, #tpu.memory_space<vmem>>)
          %dma_start3A_111 = arith.constant 0 : i32
          %dma_start3A_112 = tpu.memref_slice %arg8[%scan3A_50, %dma_start3A_111] : memref<25x80xi32, #tpu.memory_space<vmem>> -> memref<1x80xi32, #tpu.memory_space<vmem>>
          %dma_start3A_113 = tpu.memref_squeeze %dma_start3A_112 : memref<1x80xi32, #tpu.memory_space<vmem>> -> memref<80xi32, #tpu.memory_space<vmem>>
          %dma_start3A_114 = arith.constant 0 : i32
          %dma_start3A_115 = arith.constant 0 : i32
          %dma_start3A_116 = tpu.memref_slice %arg6[%dma_start3A_114, %dma_start3A_115] : memref<10000x64xf32, #tpu.memory_space<vmem_shared>> -> memref<10000x64xf32, #tpu.memory_space<vmem_shared>>
          tpu.enqueue_indirect_dma source(%arg9 : memref<80x64xf32, #tpu.memory_space<vmem>>) target(%dma_start3A_116 : memref<10000x64xf32, #tpu.memory_space<vmem_shared>>) offsets(%dma_start3A_113 : memref<80xi32, #tpu.memory_space<vmem>>) semaphore(%arg13 : memref<!tpu.dma_semaphore, #tpu.memory_space<semaphore_mem>>) {add = true}
        } else {
        }
        %rem3A_98 = arith.constant 2 : i32
        %rem3A_99 = arith.remsi %scan3A_50, %rem3A_98 : i32
        %eq3A_100 = arith.constant 1 : i32
        %eq3A_101 = arith.cmpi eq, %rem3A_99, %eq3A_100 : i32
        %convert_element_type3A_102 = arith.extui %eq3A_101 : i1 to i32
        %cond3A_103 = arith.constant 0 : i32
        %cond3A_104 = arith.cmpi ne, %convert_element_type3A_102, %cond3A_103 : i32
        scf.if %cond3A_104 {
          %dma_wait3A_105 = arith.constant 0 : i32
          %dma_wait3A_106 = tpu.memref_slice %arg7[%scan3A_50, %dma_wait3A_105] : memref<25x80xi32, #tpu.memory_space<vmem>> -> memref<1x80xi32, #tpu.memory_space<vmem>>
          %dma_wait3A_107 = tpu.memref_squeeze %dma_wait3A_106 : memref<1x80xi32, #tpu.memory_space<vmem>> -> memref<80xi32, #tpu.memory_space<vmem>>
          %dma_wait3A_108 = arith.constant 0 : i32
          %dma_wait3A_109 = arith.constant 0 : i32
          %dma_wait3A_110 = tpu.memref_slice %arg5[%dma_wait3A_108, %dma_wait3A_109] : memref<10000x64xf32, #tpu.memory_space<vmem_shared>> -> memref<10000x64xf32, #tpu.memory_space<vmem_shared>>
          tpu.wait_indirect_dma semaphore(%arg12 : memref<!tpu.dma_semaphore, #tpu.memory_space<semaphore_mem>>) src(%dma_wait3A_110 : memref<10000x64xf32, #tpu.memory_space<vmem_shared>>) dst(%arg10 : memref<80x64xf32, #tpu.memory_space<vmem>>)
          %dma_start3A_111 = arith.constant 0 : i32
          %dma_start3A_112 = tpu.memref_slice %arg8[%scan3A_50, %dma_start3A_111] : memref<25x80xi32, #tpu.memory_space<vmem>> -> memref<1x80xi32, #tpu.memory_space<vmem>>
          %dma_start3A_113 = tpu.memref_squeeze %dma_start3A_112 : memref<1x80xi32, #tpu.memory_space<vmem>> -> memref<80xi32, #tpu.memory_space<vmem>>
          %dma_start3A_114 = arith.constant 0 : i32
          %dma_start3A_115 = arith.constant 0 : i32
          %dma_start3A_116 = tpu.memref_slice %arg6[%dma_start3A_114, %dma_start3A_115] : memref<10000x64xf32, #tpu.memory_space<vmem_shared>> -> memref<10000x64xf32, #tpu.memory_space<vmem_shared>>
          tpu.enqueue_indirect_dma source(%arg10 : memref<80x64xf32, #tpu.memory_space<vmem>>) target(%dma_start3A_116 : memref<10000x64xf32, #tpu.memory_space<vmem_shared>>) offsets(%dma_start3A_113 : memref<80xi32, #tpu.memory_space<vmem>>) semaphore(%arg14 : memref<!tpu.dma_semaphore, #tpu.memory_space<semaphore_mem>>) {add = true}
        } else {
        }
      }
      %scan3A_36 = arith.constant 25 : i32
      %dma_wait3A = arith.constant 23 : i32
      %dma_wait3A_37 = arith.constant 0 : i32
      %dma_wait3A_38 = tpu.memref_slice %arg8[%dma_wait3A, %dma_wait3A_37] : memref<25x80xi32, #tpu.memory_space<vmem>> -> memref<1x80xi32, #tpu.memory_space<vmem>>
      %dma_wait3A_39 = tpu.memref_squeeze %dma_wait3A_38 : memref<1x80xi32, #tpu.memory_space<vmem>> -> memref<80xi32, #tpu.memory_space<vmem>>
      %dma_wait3A_40 = arith.constant 0 : i32
      %dma_wait3A_41 = arith.constant 0 : i32
      %dma_wait3A_42 = tpu.memref_slice %arg6[%dma_wait3A_40, %dma_wait3A_41] : memref<10000x64xf32, #tpu.memory_space<vmem_shared>> -> memref<10000x64xf32, #tpu.memory_space<vmem_shared>>
      tpu.wait_indirect_dma semaphore(%arg14 : memref<!tpu.dma_semaphore, #tpu.memory_space<semaphore_mem>>) src(%arg10 : memref<80x64xf32, #tpu.memory_space<vmem>>) dst(%dma_wait3A_42 : memref<10000x64xf32, #tpu.memory_space<vmem_shared>>)
      %dma_wait3A_43 = arith.constant 24 : i32
      %dma_wait3A_44 = arith.constant 0 : i32
      %dma_wait3A_45 = tpu.memref_slice %arg8[%dma_wait3A_43, %dma_wait3A_44] : memref<25x80xi32, #tpu.memory_space<vmem>> -> memref<1x80xi32, #tpu.memory_space<vmem>>
      %dma_wait3A_46 = tpu.memref_squeeze %dma_wait3A_45 : memref<1x80xi32, #tpu.memory_space<vmem>> -> memref<80xi32, #tpu.memory_space<vmem>>
      %dma_wait3A_47 = arith.constant 0 : i32
      %dma_wait3A_48 = arith.constant 0 : i32
      %dma_wait3A_49 = tpu.memref_slice %arg6[%dma_wait3A_47, %dma_wait3A_48] : memref<10000x64xf32, #tpu.memory_space<vmem_shared>> -> memref<10000x64xf32, #tpu.memory_space<vmem_shared>>
      tpu.wait_indirect_dma semaphore(%arg13 : memref<!tpu.dma_semaphore, #tpu.memory_space<semaphore_mem>>) src(%arg9 : memref<80x64xf32, #tpu.memory_space<vmem>>) dst(%dma_wait3A_49 : memref<10000x64xf32, #tpu.memory_space<vmem_shared>>)
    }
    %scan3A_11 = arith.constant 5 : i32
    %barrier3A_12 = arith.constant 0 : index
    tpu.barrier barrier_id(%barrier3A_12)
    %lt3A_13 = arith.constant 15 : i32
    %lt3A_14 = arith.cmpi slt, %arg1, %lt3A_13 : i32
    %convert_element_type3A_15 = arith.extui %lt3A_14 : i1 to i32
    %cond3A_16 = arith.constant 0 : i32
    %cond3A_17 = arith.cmpi ne, %convert_element_type3A_15, %cond3A_16 : i32
    scf.if %cond3A_17 {
      %mul3A_23 = arith.constant 624 : i32
      %mul3A_24 = arith.muli %arg1, %mul3A_23 : i32
      "tpu.region"() ({
        %run_scoped3A = tpu.sem_alloc : memref<!tpu.dma_semaphore, #tpu.memory_space<semaphore_mem>>
        %dma_start3A = arith.constant 0 : i32
        %dma_start3A_25 = tpu.memref_slice %arg4[%arg0, %mul3A_24, %dma_start3A] : memref<2x10000x64xf32, #tpu.memory_space<hbm>> -> memref<1x624x64xf32, #tpu.memory_space<hbm>>
        %dma_start3A_26 = tpu.memref_squeeze %dma_start3A_25 : memref<1x624x64xf32, #tpu.memory_space<hbm>> -> memref<624x64xf32, #tpu.memory_space<hbm>>
        %dma_start3A_27 = arith.constant 0 : i32
        %dma_start3A_28 = tpu.memref_slice %arg6[%mul3A_24, %dma_start3A_27] : memref<10000x64xf32, #tpu.memory_space<vmem_shared>> -> memref<624x64xf32, #tpu.memory_space<vmem_shared>>
        tpu.enqueue_dma source(%dma_start3A_28 : memref<624x64xf32, #tpu.memory_space<vmem_shared>>) target(%dma_start3A_26 : memref<624x64xf32, #tpu.memory_space<hbm>>) target_semaphore(%run_scoped3A : memref<!tpu.dma_semaphore, #tpu.memory_space<semaphore_mem>>)
        %dma_wait3A = arith.constant 0 : i32
        %dma_wait3A_29 = tpu.memref_slice %arg4[%arg0, %mul3A_24, %dma_wait3A] : memref<2x10000x64xf32, #tpu.memory_space<hbm>> -> memref<1x624x64xf32, #tpu.memory_space<hbm>>
        %dma_wait3A_30 = tpu.memref_squeeze %dma_wait3A_29 : memref<1x624x64xf32, #tpu.memory_space<hbm>> -> memref<624x64xf32, #tpu.memory_space<hbm>>
        %dma_wait3A_31 = arith.constant 0 : i32
        %dma_wait3A_32 = tpu.memref_slice %arg6[%mul3A_24, %dma_wait3A_31] : memref<10000x64xf32, #tpu.memory_space<vmem_shared>> -> memref<624x64xf32, #tpu.memory_space<vmem_shared>>
        tpu.wait_dma2 semaphore(%run_scoped3A : memref<!tpu.dma_semaphore, #tpu.memory_space<semaphore_mem>>) src(%dma_wait3A_32 : memref<624x64xf32, #tpu.memory_space<vmem_shared>>) dst(%dma_wait3A_30 : memref<624x64xf32, #tpu.memory_space<hbm>>)
        tpu.yield
      }) : () -> ()
    } else {
    }
    %eq3A_18 = arith.constant 15 : i32
    %eq3A_19 = arith.cmpi eq, %arg1, %eq3A_18 : i32
    %convert_element_type3A_20 = arith.extui %eq3A_19 : i1 to i32
    %cond3A_21 = arith.constant 0 : i32
    %cond3A_22 = arith.cmpi ne, %convert_element_type3A_20, %cond3A_21 : i32
    scf.if %cond3A_22 {
      "tpu.region"() ({
        %run_scoped3A = tpu.sem_alloc : memref<!tpu.dma_semaphore, #tpu.memory_space<semaphore_mem>>
        %dma_start3A = arith.constant 9360 : i32
        %dma_start3A_23 = arith.constant 0 : i32
        %dma_start3A_24 = tpu.memref_slice %arg4[%arg0, %dma_start3A, %dma_start3A_23] : memref<2x10000x64xf32, #tpu.memory_space<hbm>> -> memref<1x640x64xf32, #tpu.memory_space<hbm>>
        %dma_start3A_25 = tpu.memref_squeeze %dma_start3A_24 : memref<1x640x64xf32, #tpu.memory_space<hbm>> -> memref<640x64xf32, #tpu.memory_space<hbm>>
        %dma_start3A_26 = arith.constant 9360 : i32
        %dma_start3A_27 = arith.constant 0 : i32
        %dma_start3A_28 = tpu.memref_slice %arg6[%dma_start3A_26, %dma_start3A_27] : memref<10000x64xf32, #tpu.memory_space<vmem_shared>> -> memref<640x64xf32, #tpu.memory_space<vmem_shared>>
        tpu.enqueue_dma source(%dma_start3A_28 : memref<640x64xf32, #tpu.memory_space<vmem_shared>>) target(%dma_start3A_25 : memref<640x64xf32, #tpu.memory_space<hbm>>) target_semaphore(%run_scoped3A : memref<!tpu.dma_semaphore, #tpu.memory_space<semaphore_mem>>)
        %dma_wait3A = arith.constant 9360 : i32
        %dma_wait3A_29 = arith.constant 0 : i32
        %dma_wait3A_30 = tpu.memref_slice %arg4[%arg0, %dma_wait3A, %dma_wait3A_29] : memref<2x10000x64xf32, #tpu.memory_space<hbm>> -> memref<1x640x64xf32, #tpu.memory_space<hbm>>
        %dma_wait3A_31 = tpu.memref_squeeze %dma_wait3A_30 : memref<1x640x64xf32, #tpu.memory_space<hbm>> -> memref<640x64xf32, #tpu.memory_space<hbm>>
        %dma_wait3A_32 = arith.constant 9360 : i32
        %dma_wait3A_33 = arith.constant 0 : i32
        %dma_wait3A_34 = tpu.memref_slice %arg6[%dma_wait3A_32, %dma_wait3A_33] : memref<10000x64xf32, #tpu.memory_space<vmem_shared>> -> memref<640x64xf32, #tpu.memory_space<vmem_shared>>
        tpu.wait_dma2 semaphore(%run_scoped3A : memref<!tpu.dma_semaphore, #tpu.memory_space<semaphore_mem>>) src(%dma_wait3A_34 : memref<640x64xf32, #tpu.memory_space<vmem_shared>>) dst(%dma_wait3A_31 : memref<640x64xf32, #tpu.memory_space<hbm>>)
        tpu.yield
      }) : () -> ()
    } else {
    }
    return
  }
}

#map = affine_map<(d0, d1) -> (0, 0)>
#map1 = affine_map<(d0, d1) -> (0, 0, 0, 0, 0)>
#map2 = affine_map<(d0, d1) -> (0, 0, 0)>
module attributes {stable_mosaic.version = 14 : i64} {
  func.func @_seg_body(%arg0: i32, %arg1: i32, %arg2: memref<10000x64xf32, #tpu.memory_space<hbm>>, %arg3: memref<2x32x5x25x80xi32, #tpu.memory_space<hbm>>, %arg4: memref<2x10000x64xf32, #tpu.memory_space<hbm>>, %arg5: memref<10000x64xf32, #tpu.memory_space<vmem_shared>>, %arg6: memref<10000x64xf32, #tpu.memory_space<vmem_shared>>, %arg7: memref<25x80xi32, #tpu.memory_space<vmem>>, %arg8: memref<25x80xi32, #tpu.memory_space<vmem>>, %arg9: memref<80x64xf32, #tpu.memory_space<vmem>>, %arg10: memref<80x64xf32, #tpu.memory_space<vmem>>, %arg11: memref<!tpu.dma_semaphore, #tpu.memory_space<semaphore_mem>>, %arg12: memref<!tpu.dma_semaphore, #tpu.memory_space<semaphore_mem>>, %arg13: memref<!tpu.dma_semaphore, #tpu.memory_space<semaphore_mem>>, %arg14: memref<!tpu.dma_semaphore, #tpu.memory_space<semaphore_mem>>) attributes {dimension_semantics = [#tpu.dimension_semantics<core_parallel>, #tpu.dimension_semantics<subcore_parallel>], iteration_bounds = array<i64: 2, 16>, scalar_prefetch = 0 : i64, scratch_operands = 10 : i64, tpu.core_type = #tpu.core_type<sc_vector_subcore>, window_params = [{transform_indices = #map}, {transform_indices = #map1}, {transform_indices = #map2}]} {
    %lt3A = arith.constant 15 : i32
    %lt3A_0 = arith.cmpi slt, %arg1, %lt3A : i32
    %convert_element_type3A = arith.extui %lt3A_0 : i1 to i32
    %cond3A = arith.constant 0 : i32
    %cond3A_1 = arith.cmpi ne, %convert_element_type3A, %cond3A : i32
    scf.if %cond3A_1 {
      %mul3A_23 = arith.constant 624 : i32
      %mul3A_24 = arith.muli %arg1, %mul3A_23 : i32
      "tpu.region"() ({
        %run_scoped3A = tpu.sem_alloc : memref<!tpu.dma_semaphore, #tpu.memory_space<semaphore_mem>>
        %dma_start3A = arith.constant 0 : i32
        %dma_start3A_25 = tpu.memref_slice %arg5[%mul3A_24, %dma_start3A] : memref<10000x64xf32, #tpu.memory_space<vmem_shared>> -> memref<624x64xf32, #tpu.memory_space<vmem_shared>>
        %dma_start3A_26 = arith.constant 0 : i32
        %dma_start3A_27 = tpu.memref_slice %arg2[%mul3A_24, %dma_start3A_26] : memref<10000x64xf32, #tpu.memory_space<hbm>> -> memref<624x64xf32, #tpu.memory_space<hbm>>
        tpu.enqueue_dma source(%dma_start3A_27 : memref<624x64xf32, #tpu.memory_space<hbm>>) target(%dma_start3A_25 : memref<624x64xf32, #tpu.memory_space<vmem_shared>>) target_semaphore(%run_scoped3A : memref<!tpu.dma_semaphore, #tpu.memory_space<semaphore_mem>>)
        %dma_wait3A = arith.constant 0 : i32
        %dma_wait3A_28 = tpu.memref_slice %arg5[%mul3A_24, %dma_wait3A] : memref<10000x64xf32, #tpu.memory_space<vmem_shared>> -> memref<624x64xf32, #tpu.memory_space<vmem_shared>>
        %dma_wait3A_29 = arith.constant 0 : i32
        %dma_wait3A_30 = tpu.memref_slice %arg2[%mul3A_24, %dma_wait3A_29] : memref<10000x64xf32, #tpu.memory_space<hbm>> -> memref<624x64xf32, #tpu.memory_space<hbm>>
        tpu.wait_dma2 semaphore(%run_scoped3A : memref<!tpu.dma_semaphore, #tpu.memory_space<semaphore_mem>>) src(%dma_wait3A_30 : memref<624x64xf32, #tpu.memory_space<hbm>>) dst(%dma_wait3A_28 : memref<624x64xf32, #tpu.memory_space<vmem_shared>>)
        tpu.yield
      }) : () -> ()
      "tpu.region"() ({
        %run_scoped3A = tpu.sem_alloc : memref<!tpu.dma_semaphore, #tpu.memory_space<semaphore_mem>>
        %dma_start3A = arith.constant 0 : i32
        %dma_start3A_25 = tpu.memref_slice %arg6[%mul3A_24, %dma_start3A] : memref<10000x64xf32, #tpu.memory_space<vmem_shared>> -> memref<624x64xf32, #tpu.memory_space<vmem_shared>>
        %dma_start3A_26 = arith.constant 0 : i32
        %dma_start3A_27 = tpu.memref_slice %arg2[%mul3A_24, %dma_start3A_26] : memref<10000x64xf32, #tpu.memory_space<hbm>> -> memref<624x64xf32, #tpu.memory_space<hbm>>
        tpu.enqueue_dma source(%dma_start3A_27 : memref<624x64xf32, #tpu.memory_space<hbm>>) target(%dma_start3A_25 : memref<624x64xf32, #tpu.memory_space<vmem_shared>>) target_semaphore(%run_scoped3A : memref<!tpu.dma_semaphore, #tpu.memory_space<semaphore_mem>>)
        %dma_wait3A = arith.constant 0 : i32
        %dma_wait3A_28 = tpu.memref_slice %arg6[%mul3A_24, %dma_wait3A] : memref<10000x64xf32, #tpu.memory_space<vmem_shared>> -> memref<624x64xf32, #tpu.memory_space<vmem_shared>>
        %dma_wait3A_29 = arith.constant 0 : i32
        %dma_wait3A_30 = tpu.memref_slice %arg2[%mul3A_24, %dma_wait3A_29] : memref<10000x64xf32, #tpu.memory_space<hbm>> -> memref<624x64xf32, #tpu.memory_space<hbm>>
        tpu.wait_dma2 semaphore(%run_scoped3A : memref<!tpu.dma_semaphore, #tpu.memory_space<semaphore_mem>>) src(%dma_wait3A_30 : memref<624x64xf32, #tpu.memory_space<hbm>>) dst(%dma_wait3A_28 : memref<624x64xf32, #tpu.memory_space<vmem_shared>>)
        tpu.yield
      }) : () -> ()
    } else {
    }
    %eq3A = arith.constant 15 : i32
    %eq3A_2 = arith.cmpi eq, %arg1, %eq3A : i32
    %convert_element_type3A_3 = arith.extui %eq3A_2 : i1 to i32
    %cond3A_4 = arith.constant 0 : i32
    %cond3A_5 = arith.cmpi ne, %convert_element_type3A_3, %cond3A_4 : i32
    scf.if %cond3A_5 {
      "tpu.region"() ({
        %run_scoped3A = tpu.sem_alloc : memref<!tpu.dma_semaphore, #tpu.memory_space<semaphore_mem>>
        %dma_start3A = arith.constant 9360 : i32
        %dma_start3A_23 = arith.constant 0 : i32
        %dma_start3A_24 = tpu.memref_slice %arg5[%dma_start3A, %dma_start3A_23] : memref<10000x64xf32, #tpu.memory_space<vmem_shared>> -> memref<640x64xf32, #tpu.memory_space<vmem_shared>>
        %dma_start3A_25 = arith.constant 9360 : i32
        %dma_start3A_26 = arith.constant 0 : i32
        %dma_start3A_27 = tpu.memref_slice %arg2[%dma_start3A_25, %dma_start3A_26] : memref<10000x64xf32, #tpu.memory_space<hbm>> -> memref<640x64xf32, #tpu.memory_space<hbm>>
        tpu.enqueue_dma source(%dma_start3A_27 : memref<640x64xf32, #tpu.memory_space<hbm>>) target(%dma_start3A_24 : memref<640x64xf32, #tpu.memory_space<vmem_shared>>) target_semaphore(%run_scoped3A : memref<!tpu.dma_semaphore, #tpu.memory_space<semaphore_mem>>)
        %dma_wait3A = arith.constant 9360 : i32
        %dma_wait3A_28 = arith.constant 0 : i32
        %dma_wait3A_29 = tpu.memref_slice %arg5[%dma_wait3A, %dma_wait3A_28] : memref<10000x64xf32, #tpu.memory_space<vmem_shared>> -> memref<640x64xf32, #tpu.memory_space<vmem_shared>>
        %dma_wait3A_30 = arith.constant 9360 : i32
        %dma_wait3A_31 = arith.constant 0 : i32
        %dma_wait3A_32 = tpu.memref_slice %arg2[%dma_wait3A_30, %dma_wait3A_31] : memref<10000x64xf32, #tpu.memory_space<hbm>> -> memref<640x64xf32, #tpu.memory_space<hbm>>
        tpu.wait_dma2 semaphore(%run_scoped3A : memref<!tpu.dma_semaphore, #tpu.memory_space<semaphore_mem>>) src(%dma_wait3A_32 : memref<640x64xf32, #tpu.memory_space<hbm>>) dst(%dma_wait3A_29 : memref<640x64xf32, #tpu.memory_space<vmem_shared>>)
        tpu.yield
      }) : () -> ()
      "tpu.region"() ({
        %run_scoped3A = tpu.sem_alloc : memref<!tpu.dma_semaphore, #tpu.memory_space<semaphore_mem>>
        %dma_start3A = arith.constant 9360 : i32
        %dma_start3A_23 = arith.constant 0 : i32
        %dma_start3A_24 = tpu.memref_slice %arg6[%dma_start3A, %dma_start3A_23] : memref<10000x64xf32, #tpu.memory_space<vmem_shared>> -> memref<640x64xf32, #tpu.memory_space<vmem_shared>>
        %dma_start3A_25 = arith.constant 9360 : i32
        %dma_start3A_26 = arith.constant 0 : i32
        %dma_start3A_27 = tpu.memref_slice %arg2[%dma_start3A_25, %dma_start3A_26] : memref<10000x64xf32, #tpu.memory_space<hbm>> -> memref<640x64xf32, #tpu.memory_space<hbm>>
        tpu.enqueue_dma source(%dma_start3A_27 : memref<640x64xf32, #tpu.memory_space<hbm>>) target(%dma_start3A_24 : memref<640x64xf32, #tpu.memory_space<vmem_shared>>) target_semaphore(%run_scoped3A : memref<!tpu.dma_semaphore, #tpu.memory_space<semaphore_mem>>)
        %dma_wait3A = arith.constant 9360 : i32
        %dma_wait3A_28 = arith.constant 0 : i32
        %dma_wait3A_29 = tpu.memref_slice %arg6[%dma_wait3A, %dma_wait3A_28] : memref<10000x64xf32, #tpu.memory_space<vmem_shared>> -> memref<640x64xf32, #tpu.memory_space<vmem_shared>>
        %dma_wait3A_30 = arith.constant 9360 : i32
        %dma_wait3A_31 = arith.constant 0 : i32
        %dma_wait3A_32 = tpu.memref_slice %arg2[%dma_wait3A_30, %dma_wait3A_31] : memref<10000x64xf32, #tpu.memory_space<hbm>> -> memref<640x64xf32, #tpu.memory_space<hbm>>
        tpu.wait_dma2 semaphore(%run_scoped3A : memref<!tpu.dma_semaphore, #tpu.memory_space<semaphore_mem>>) src(%dma_wait3A_32 : memref<640x64xf32, #tpu.memory_space<hbm>>) dst(%dma_wait3A_29 : memref<640x64xf32, #tpu.memory_space<vmem_shared>>)
        tpu.yield
      }) : () -> ()
    } else {
    }
    %mul3A = arith.constant 16 : i32
    %mul3A_6 = arith.muli %arg0, %mul3A : i32
    %add3A = arith.addi %mul3A_6, %arg1 : i32
    %barrier3A = arith.constant 0 : index
    tpu.barrier barrier_id(%barrier3A)
    %scan3A = arith.constant 0 : i32
    %scan3A_7 = arith.constant 0 : i32
    %scan3A_8 = arith.constant 5 : i32
    %scan3A_9 = arith.addi %scan3A_7, %scan3A_8 : i32
    %scan3A_10 = arith.constant 1 : i32
    scf.for %scan3A_23 = %scan3A_7 to %scan3A_9 step %scan3A_10  : i32 {
      %run_scoped3A = arith.constant 0 : i32
      "tpu.region"() ({
        %run_scoped3A_50 = tpu.sem_alloc : memref<!tpu.dma_semaphore, #tpu.memory_space<semaphore_mem>>
        %dma_start3A_51 = arith.constant 0 : i32
        %dma_start3A_52 = arith.constant 0 : i32
        %dma_start3A_53 = tpu.memref_slice %arg3[%run_scoped3A, %add3A, %scan3A_23, %dma_start3A_51, %dma_start3A_52] : memref<2x32x5x25x80xi32, #tpu.memory_space<hbm>> -> memref<1x1x1x25x80xi32, #tpu.memory_space<hbm>>
        %dma_start3A_54 = tpu.memref_squeeze %dma_start3A_53 : memref<1x1x1x25x80xi32, #tpu.memory_space<hbm>> -> memref<25x80xi32, #tpu.memory_space<hbm>>
        %dma_start3A_55 = arith.constant 0 : i32
        %dma_start3A_56 = arith.constant 0 : i32
        %dma_start3A_57 = tpu.memref_slice %arg3[%run_scoped3A, %add3A, %scan3A_23, %dma_start3A_55, %dma_start3A_56] : memref<2x32x5x25x80xi32, #tpu.memory_space<hbm>> -> memref<1x1x1x25x80xi32, #tpu.memory_space<hbm>>
        %dma_start3A_58 = tpu.memref_squeeze %dma_start3A_57 : memref<1x1x1x25x80xi32, #tpu.memory_space<hbm>> -> memref<25x80xi32, #tpu.memory_space<hbm>>
        tpu.enqueue_dma source(%dma_start3A_58 : memref<25x80xi32, #tpu.memory_space<hbm>>) target(%arg7 : memref<25x80xi32, #tpu.memory_space<vmem>>) target_semaphore(%run_scoped3A_50 : memref<!tpu.dma_semaphore, #tpu.memory_space<semaphore_mem>>)
        %dma_wait3A_59 = arith.constant 0 : i32
        %dma_wait3A_60 = arith.constant 0 : i32
        %dma_wait3A_61 = tpu.memref_slice %arg3[%run_scoped3A, %add3A, %scan3A_23, %dma_wait3A_59, %dma_wait3A_60] : memref<2x32x5x25x80xi32, #tpu.memory_space<hbm>> -> memref<1x1x1x25x80xi32, #tpu.memory_space<hbm>>
        %dma_wait3A_62 = tpu.memref_squeeze %dma_wait3A_61 : memref<1x1x1x25x80xi32, #tpu.memory_space<hbm>> -> memref<25x80xi32, #tpu.memory_space<hbm>>
        %dma_wait3A_63 = arith.constant 0 : i32
        %dma_wait3A_64 = arith.constant 0 : i32
        %dma_wait3A_65 = tpu.memref_slice %arg3[%run_scoped3A, %add3A, %scan3A_23, %dma_wait3A_63, %dma_wait3A_64] : memref<2x32x5x25x80xi32, #tpu.memory_space<hbm>> -> memref<1x1x1x25x80xi32, #tpu.memory_space<hbm>>
        %dma_wait3A_66 = tpu.memref_squeeze %dma_wait3A_65 : memref<1x1x1x25x80xi32, #tpu.memory_space<hbm>> -> memref<25x80xi32, #tpu.memory_space<hbm>>
        tpu.wait_dma2 semaphore(%run_scoped3A_50 : memref<!tpu.dma_semaphore, #tpu.memory_space<semaphore_mem>>) src(%dma_wait3A_66 : memref<25x80xi32, #tpu.memory_space<hbm>>) dst(%arg7 : memref<25x80xi32, #tpu.memory_space<vmem>>)
        tpu.yield
      }) : () -> ()
      %run_scoped3A_24 = arith.constant 1 : i32
      "tpu.region"() ({
        %run_scoped3A_50 = tpu.sem_alloc : memref<!tpu.dma_semaphore, #tpu.memory_space<semaphore_mem>>
        %dma_start3A_51 = arith.constant 0 : i32
        %dma_start3A_52 = arith.constant 0 : i32
        %dma_start3A_53 = tpu.memref_slice %arg3[%run_scoped3A_24, %add3A, %scan3A_23, %dma_start3A_51, %dma_start3A_52] : memref<2x32x5x25x80xi32, #tpu.memory_space<hbm>> -> memref<1x1x1x25x80xi32, #tpu.memory_space<hbm>>
        %dma_start3A_54 = tpu.memref_squeeze %dma_start3A_53 : memref<1x1x1x25x80xi32, #tpu.memory_space<hbm>> -> memref<25x80xi32, #tpu.memory_space<hbm>>
        %dma_start3A_55 = arith.constant 0 : i32
        %dma_start3A_56 = arith.constant 0 : i32
        %dma_start3A_57 = tpu.memref_slice %arg3[%run_scoped3A_24, %add3A, %scan3A_23, %dma_start3A_55, %dma_start3A_56] : memref<2x32x5x25x80xi32, #tpu.memory_space<hbm>> -> memref<1x1x1x25x80xi32, #tpu.memory_space<hbm>>
        %dma_start3A_58 = tpu.memref_squeeze %dma_start3A_57 : memref<1x1x1x25x80xi32, #tpu.memory_space<hbm>> -> memref<25x80xi32, #tpu.memory_space<hbm>>
        tpu.enqueue_dma source(%dma_start3A_58 : memref<25x80xi32, #tpu.memory_space<hbm>>) target(%arg8 : memref<25x80xi32, #tpu.memory_space<vmem>>) target_semaphore(%run_scoped3A_50 : memref<!tpu.dma_semaphore, #tpu.memory_space<semaphore_mem>>)
        %dma_wait3A_59 = arith.constant 0 : i32
        %dma_wait3A_60 = arith.constant 0 : i32
        %dma_wait3A_61 = tpu.memref_slice %arg3[%run_scoped3A_24, %add3A, %scan3A_23, %dma_wait3A_59, %dma_wait3A_60] : memref<2x32x5x25x80xi32, #tpu.memory_space<hbm>> -> memref<1x1x1x25x80xi32, #tpu.memory_space<hbm>>
        %dma_wait3A_62 = tpu.memref_squeeze %dma_wait3A_61 : memref<1x1x1x25x80xi32, #tpu.memory_space<hbm>> -> memref<25x80xi32, #tpu.memory_space<hbm>>
        %dma_wait3A_63 = arith.constant 0 : i32
        %dma_wait3A_64 = arith.constant 0 : i32
        %dma_wait3A_65 = tpu.memref_slice %arg3[%run_scoped3A_24, %add3A, %scan3A_23, %dma_wait3A_63, %dma_wait3A_64] : memref<2x32x5x25x80xi32, #tpu.memory_space<hbm>> -> memref<1x1x1x25x80xi32, #tpu.memory_space<hbm>>
        %dma_wait3A_66 = tpu.memref_squeeze %dma_wait3A_65 : memref<1x1x1x25x80xi32, #tpu.memory_space<hbm>> -> memref<25x80xi32, #tpu.memory_space<hbm>>
        tpu.wait_dma2 semaphore(%run_scoped3A_50 : memref<!tpu.dma_semaphore, #tpu.memory_space<semaphore_mem>>) src(%dma_wait3A_66 : memref<25x80xi32, #tpu.memory_space<hbm>>) dst(%arg8 : memref<25x80xi32, #tpu.memory_space<vmem>>)
        tpu.yield
      }) : () -> ()
      %dma_start3A = arith.constant 0 : i32
      %dma_start3A_25 = arith.constant 0 : i32
      %dma_start3A_26 = tpu.memref_slice %arg7[%dma_start3A, %dma_start3A_25] : memref<25x80xi32, #tpu.memory_space<vmem>> -> memref<1x80xi32, #tpu.memory_space<vmem>>
      %dma_start3A_27 = tpu.memref_squeeze %dma_start3A_26 : memref<1x80xi32, #tpu.memory_space<vmem>> -> memref<80xi32, #tpu.memory_space<vmem>>
      %dma_start3A_28 = arith.constant 0 : i32
      %dma_start3A_29 = arith.constant 0 : i32
      %dma_start3A_30 = tpu.memref_slice %arg5[%dma_start3A_28, %dma_start3A_29] : memref<10000x64xf32, #tpu.memory_space<vmem_shared>> -> memref<10000x64xf32, #tpu.memory_space<vmem_shared>>
      tpu.enqueue_indirect_dma source(%dma_start3A_30 : memref<10000x64xf32, #tpu.memory_space<vmem_shared>>) target(%arg9 : memref<80x64xf32, #tpu.memory_space<vmem>>) offsets(%dma_start3A_27 : memref<80xi32, #tpu.memory_space<vmem>>) semaphore(%arg11 : memref<!tpu.dma_semaphore, #tpu.memory_space<semaphore_mem>>)
      %scan3A_31 = arith.constant 0 : i32
      %scan3A_32 = arith.constant 0 : i32
      %scan3A_33 = arith.constant 25 : i32
      %scan3A_34 = arith.addi %scan3A_32, %scan3A_33 : i32
      %scan3A_35 = arith.constant 1 : i32
      scf.for %scan3A_50 = %scan3A_32 to %scan3A_34 step %scan3A_35  : i32 {
        %add3A_51 = arith.constant 1 : i32
        %add3A_52 = arith.addi %scan3A_50, %add3A_51 : i32
        %sub3A = arith.constant 1 : i32
        %sub3A_53 = arith.subi %scan3A_50, %sub3A : i32
        %lt3A_54 = arith.constant 25 : i32
        %lt3A_55 = arith.cmpi slt, %add3A_52, %lt3A_54 : i32
        %ge3A = arith.constant 0 : i32
        %ge3A_56 = arith.cmpi sge, %sub3A_53, %ge3A : i32
        %rem3A = arith.constant 2 : i32
        %rem3A_57 = arith.remsi %add3A_52, %rem3A : i32
        %eq3A_58 = arith.constant 0 : i32
        %eq3A_59 = arith.cmpi eq, %rem3A_57, %eq3A_58 : i32
        %and3A = arith.andi %ge3A_56, %eq3A_59 : i1
        %and3A_60 = arith.andi %lt3A_55, %and3A : i1
        %convert_element_type3A_61 = arith.extui %and3A_60 : i1 to i32
        %cond3A_62 = arith.constant 0 : i32
        %cond3A_63 = arith.cmpi ne, %convert_element_type3A_61, %cond3A_62 : i32
        scf.if %cond3A_63 {
          %dma_wait3A_105 = arith.constant 0 : i32
          %dma_wait3A_106 = tpu.memref_slice %arg8[%sub3A_53, %dma_wait3A_105] : memref<25x80xi32, #tpu.memory_space<vmem>> -> memref<1x80xi32, #tpu.memory_space<vmem>>
          %dma_wait3A_107 = tpu.memref_squeeze %dma_wait3A_106 : memref<1x80xi32, #tpu.memory_space<vmem>> -> memref<80xi32, #tpu.memory_space<vmem>>
          %dma_wait3A_108 = arith.constant 0 : i32
          %dma_wait3A_109 = arith.constant 0 : i32
          %dma_wait3A_110 = tpu.memref_slice %arg6[%dma_wait3A_108, %dma_wait3A_109] : memref<10000x64xf32, #tpu.memory_space<vmem_shared>> -> memref<10000x64xf32, #tpu.memory_space<vmem_shared>>
          tpu.wait_indirect_dma semaphore(%arg13 : memref<!tpu.dma_semaphore, #tpu.memory_space<semaphore_mem>>) src(%arg9 : memref<80x64xf32, #tpu.memory_space<vmem>>) dst(%dma_wait3A_110 : memref<10000x64xf32, #tpu.memory_space<vmem_shared>>)
        } else {
        }
        %ge3A_64 = arith.constant 0 : i32
        %ge3A_65 = arith.cmpi sge, %sub3A_53, %ge3A_64 : i32
        %rem3A_66 = arith.constant 2 : i32
        %rem3A_67 = arith.remsi %add3A_52, %rem3A_66 : i32
        %eq3A_68 = arith.constant 1 : i32
        %eq3A_69 = arith.cmpi eq, %rem3A_67, %eq3A_68 : i32
        %and3A_70 = arith.andi %ge3A_65, %eq3A_69 : i1
        %and3A_71 = arith.andi %lt3A_55, %and3A_70 : i1
        %convert_element_type3A_72 = arith.extui %and3A_71 : i1 to i32
        %cond3A_73 = arith.constant 0 : i32
        %cond3A_74 = arith.cmpi ne, %convert_element_type3A_72, %cond3A_73 : i32
        scf.if %cond3A_74 {
          %dma_wait3A_105 = arith.constant 0 : i32
          %dma_wait3A_106 = tpu.memref_slice %arg8[%sub3A_53, %dma_wait3A_105] : memref<25x80xi32, #tpu.memory_space<vmem>> -> memref<1x80xi32, #tpu.memory_space<vmem>>
          %dma_wait3A_107 = tpu.memref_squeeze %dma_wait3A_106 : memref<1x80xi32, #tpu.memory_space<vmem>> -> memref<80xi32, #tpu.memory_space<vmem>>
          %dma_wait3A_108 = arith.constant 0 : i32
          %dma_wait3A_109 = arith.constant 0 : i32
          %dma_wait3A_110 = tpu.memref_slice %arg6[%dma_wait3A_108, %dma_wait3A_109] : memref<10000x64xf32, #tpu.memory_space<vmem_shared>> -> memref<10000x64xf32, #tpu.memory_space<vmem_shared>>
          tpu.wait_indirect_dma semaphore(%arg14 : memref<!tpu.dma_semaphore, #tpu.memory_space<semaphore_mem>>) src(%arg10 : memref<80x64xf32, #tpu.memory_space<vmem>>) dst(%dma_wait3A_110 : memref<10000x64xf32, #tpu.memory_space<vmem_shared>>)
        } else {
        }
        %rem3A_75 = arith.constant 2 : i32
        %rem3A_76 = arith.remsi %add3A_52, %rem3A_75 : i32
        %eq3A_77 = arith.constant 0 : i32
        %eq3A_78 = arith.cmpi eq, %rem3A_76, %eq3A_77 : i32
        %and3A_79 = arith.andi %lt3A_55, %eq3A_78 : i1
        %convert_element_type3A_80 = arith.extui %and3A_79 : i1 to i32
        %cond3A_81 = arith.constant 0 : i32
        %cond3A_82 = arith.cmpi ne, %convert_element_type3A_80, %cond3A_81 : i32
        scf.if %cond3A_82 {
          %dma_start3A_105 = arith.constant 0 : i32
          %dma_start3A_106 = tpu.memref_slice %arg7[%add3A_52, %dma_start3A_105] : memref<25x80xi32, #tpu.memory_space<vmem>> -> memref<1x80xi32, #tpu.memory_space<vmem>>
          %dma_start3A_107 = tpu.memref_squeeze %dma_start3A_106 : memref<1x80xi32, #tpu.memory_space<vmem>> -> memref<80xi32, #tpu.memory_space<vmem>>
          %dma_start3A_108 = arith.constant 0 : i32
          %dma_start3A_109 = arith.constant 0 : i32
          %dma_start3A_110 = tpu.memref_slice %arg5[%dma_start3A_108, %dma_start3A_109] : memref<10000x64xf32, #tpu.memory_space<vmem_shared>> -> memref<10000x64xf32, #tpu.memory_space<vmem_shared>>
          tpu.enqueue_indirect_dma source(%dma_start3A_110 : memref<10000x64xf32, #tpu.memory_space<vmem_shared>>) target(%arg9 : memref<80x64xf32, #tpu.memory_space<vmem>>) offsets(%dma_start3A_107 : memref<80xi32, #tpu.memory_space<vmem>>) semaphore(%arg11 : memref<!tpu.dma_semaphore, #tpu.memory_space<semaphore_mem>>)
        } else {
        }
        %rem3A_83 = arith.constant 2 : i32
        %rem3A_84 = arith.remsi %add3A_52, %rem3A_83 : i32
        %eq3A_85 = arith.constant 1 : i32
        %eq3A_86 = arith.cmpi eq, %rem3A_84, %eq3A_85 : i32
        %and3A_87 = arith.andi %lt3A_55, %eq3A_86 : i1
        %convert_element_type3A_88 = arith.extui %and3A_87 : i1 to i32
        %cond3A_89 = arith.constant 0 : i32
        %cond3A_90 = arith.cmpi ne, %convert_element_type3A_88, %cond3A_89 : i32
        scf.if %cond3A_90 {
          %dma_start3A_105 = arith.constant 0 : i32
          %dma_start3A_106 = tpu.memref_slice %arg7[%add3A_52, %dma_start3A_105] : memref<25x80xi32, #tpu.memory_space<vmem>> -> memref<1x80xi32, #tpu.memory_space<vmem>>
          %dma_start3A_107 = tpu.memref_squeeze %dma_start3A_106 : memref<1x80xi32, #tpu.memory_space<vmem>> -> memref<80xi32, #tpu.memory_space<vmem>>
          %dma_start3A_108 = arith.constant 0 : i32
          %dma_start3A_109 = arith.constant 0 : i32
          %dma_start3A_110 = tpu.memref_slice %arg5[%dma_start3A_108, %dma_start3A_109] : memref<10000x64xf32, #tpu.memory_space<vmem_shared>> -> memref<10000x64xf32, #tpu.memory_space<vmem_shared>>
          tpu.enqueue_indirect_dma source(%dma_start3A_110 : memref<10000x64xf32, #tpu.memory_space<vmem_shared>>) target(%arg10 : memref<80x64xf32, #tpu.memory_space<vmem>>) offsets(%dma_start3A_107 : memref<80xi32, #tpu.memory_space<vmem>>) semaphore(%arg12 : memref<!tpu.dma_semaphore, #tpu.memory_space<semaphore_mem>>)
        } else {
        }
        %rem3A_91 = arith.constant 2 : i32
        %rem3A_92 = arith.remsi %scan3A_50, %rem3A_91 : i32
        %eq3A_93 = arith.constant 0 : i32
        %eq3A_94 = arith.cmpi eq, %rem3A_92, %eq3A_93 : i32
        %convert_element_type3A_95 = arith.extui %eq3A_94 : i1 to i32
        %cond3A_96 = arith.constant 0 : i32
        %cond3A_97 = arith.cmpi ne, %convert_element_type3A_95, %cond3A_96 : i32
        scf.if %cond3A_97 {
          %dma_wait3A_105 = arith.constant 0 : i32
          %dma_wait3A_106 = tpu.memref_slice %arg7[%scan3A_50, %dma_wait3A_105] : memref<25x80xi32, #tpu.memory_space<vmem>> -> memref<1x80xi32, #tpu.memory_space<vmem>>
          %dma_wait3A_107 = tpu.memref_squeeze %dma_wait3A_106 : memref<1x80xi32, #tpu.memory_space<vmem>> -> memref<80xi32, #tpu.memory_space<vmem>>
          %dma_wait3A_108 = arith.constant 0 : i32
          %dma_wait3A_109 = arith.constant 0 : i32
          %dma_wait3A_110 = tpu.memref_slice %arg5[%dma_wait3A_108, %dma_wait3A_109] : memref<10000x64xf32, #tpu.memory_space<vmem_shared>> -> memref<10000x64xf32, #tpu.memory_space<vmem_shared>>
          tpu.wait_indirect_dma semaphore(%arg11 : memref<!tpu.dma_semaphore, #tpu.memory_space<semaphore_mem>>) src(%dma_wait3A_110 : memref<10000x64xf32, #tpu.memory_space<vmem_shared>>) dst(%arg9 : memref<80x64xf32, #tpu.memory_space<vmem>>)
          %dma_start3A_111 = arith.constant 0 : i32
          %dma_start3A_112 = tpu.memref_slice %arg8[%scan3A_50, %dma_start3A_111] : memref<25x80xi32, #tpu.memory_space<vmem>> -> memref<1x80xi32, #tpu.memory_space<vmem>>
          %dma_start3A_113 = tpu.memref_squeeze %dma_start3A_112 : memref<1x80xi32, #tpu.memory_space<vmem>> -> memref<80xi32, #tpu.memory_space<vmem>>
          %dma_start3A_114 = arith.constant 0 : i32
          %dma_start3A_115 = arith.constant 0 : i32
          %dma_start3A_116 = tpu.memref_slice %arg6[%dma_start3A_114, %dma_start3A_115] : memref<10000x64xf32, #tpu.memory_space<vmem_shared>> -> memref<10000x64xf32, #tpu.memory_space<vmem_shared>>
          tpu.enqueue_indirect_dma source(%arg9 : memref<80x64xf32, #tpu.memory_space<vmem>>) target(%dma_start3A_116 : memref<10000x64xf32, #tpu.memory_space<vmem_shared>>) offsets(%dma_start3A_113 : memref<80xi32, #tpu.memory_space<vmem>>) semaphore(%arg13 : memref<!tpu.dma_semaphore, #tpu.memory_space<semaphore_mem>>) {add = true}
        } else {
        }
        %rem3A_98 = arith.constant 2 : i32
        %rem3A_99 = arith.remsi %scan3A_50, %rem3A_98 : i32
        %eq3A_100 = arith.constant 1 : i32
        %eq3A_101 = arith.cmpi eq, %rem3A_99, %eq3A_100 : i32
        %convert_element_type3A_102 = arith.extui %eq3A_101 : i1 to i32
        %cond3A_103 = arith.constant 0 : i32
        %cond3A_104 = arith.cmpi ne, %convert_element_type3A_102, %cond3A_103 : i32
        scf.if %cond3A_104 {
          %dma_wait3A_105 = arith.constant 0 : i32
          %dma_wait3A_106 = tpu.memref_slice %arg7[%scan3A_50, %dma_wait3A_105] : memref<25x80xi32, #tpu.memory_space<vmem>> -> memref<1x80xi32, #tpu.memory_space<vmem>>
          %dma_wait3A_107 = tpu.memref_squeeze %dma_wait3A_106 : memref<1x80xi32, #tpu.memory_space<vmem>> -> memref<80xi32, #tpu.memory_space<vmem>>
          %dma_wait3A_108 = arith.constant 0 : i32
          %dma_wait3A_109 = arith.constant 0 : i32
          %dma_wait3A_110 = tpu.memref_slice %arg5[%dma_wait3A_108, %dma_wait3A_109] : memref<10000x64xf32, #tpu.memory_space<vmem_shared>> -> memref<10000x64xf32, #tpu.memory_space<vmem_shared>>
          tpu.wait_indirect_dma semaphore(%arg12 : memref<!tpu.dma_semaphore, #tpu.memory_space<semaphore_mem>>) src(%dma_wait3A_110 : memref<10000x64xf32, #tpu.memory_space<vmem_shared>>) dst(%arg10 : memref<80x64xf32, #tpu.memory_space<vmem>>)
          %dma_start3A_111 = arith.constant 0 : i32
          %dma_start3A_112 = tpu.memref_slice %arg8[%scan3A_50, %dma_start3A_111] : memref<25x80xi32, #tpu.memory_space<vmem>> -> memref<1x80xi32, #tpu.memory_space<vmem>>
          %dma_start3A_113 = tpu.memref_squeeze %dma_start3A_112 : memref<1x80xi32, #tpu.memory_space<vmem>> -> memref<80xi32, #tpu.memory_space<vmem>>
          %dma_start3A_114 = arith.constant 0 : i32
          %dma_start3A_115 = arith.constant 0 : i32
          %dma_start3A_116 = tpu.memref_slice %arg6[%dma_start3A_114, %dma_start3A_115] : memref<10000x64xf32, #tpu.memory_space<vmem_shared>> -> memref<10000x64xf32, #tpu.memory_space<vmem_shared>>
          tpu.enqueue_indirect_dma source(%arg10 : memref<80x64xf32, #tpu.memory_space<vmem>>) target(%dma_start3A_116 : memref<10000x64xf32, #tpu.memory_space<vmem_shared>>) offsets(%dma_start3A_113 : memref<80xi32, #tpu.memory_space<vmem>>) semaphore(%arg14 : memref<!tpu.dma_semaphore, #tpu.memory_space<semaphore_mem>>) {add = true}
        } else {
        }
      }
      %scan3A_36 = arith.constant 25 : i32
      %dma_wait3A = arith.constant 23 : i32
      %dma_wait3A_37 = arith.constant 0 : i32
      %dma_wait3A_38 = tpu.memref_slice %arg8[%dma_wait3A, %dma_wait3A_37] : memref<25x80xi32, #tpu.memory_space<vmem>> -> memref<1x80xi32, #tpu.memory_space<vmem>>
      %dma_wait3A_39 = tpu.memref_squeeze %dma_wait3A_38 : memref<1x80xi32, #tpu.memory_space<vmem>> -> memref<80xi32, #tpu.memory_space<vmem>>
      %dma_wait3A_40 = arith.constant 0 : i32
      %dma_wait3A_41 = arith.constant 0 : i32
      %dma_wait3A_42 = tpu.memref_slice %arg6[%dma_wait3A_40, %dma_wait3A_41] : memref<10000x64xf32, #tpu.memory_space<vmem_shared>> -> memref<10000x64xf32, #tpu.memory_space<vmem_shared>>
      tpu.wait_indirect_dma semaphore(%arg14 : memref<!tpu.dma_semaphore, #tpu.memory_space<semaphore_mem>>) src(%arg10 : memref<80x64xf32, #tpu.memory_space<vmem>>) dst(%dma_wait3A_42 : memref<10000x64xf32, #tpu.memory_space<vmem_shared>>)
      %dma_wait3A_43 = arith.constant 24 : i32
      %dma_wait3A_44 = arith.constant 0 : i32
      %dma_wait3A_45 = tpu.memref_slice %arg8[%dma_wait3A_43, %dma_wait3A_44] : memref<25x80xi32, #tpu.memory_space<vmem>> -> memref<1x80xi32, #tpu.memory_space<vmem>>
      %dma_wait3A_46 = tpu.memref_squeeze %dma_wait3A_45 : memref<1x80xi32, #tpu.memory_space<vmem>> -> memref<80xi32, #tpu.memory_space<vmem>>
      %dma_wait3A_47 = arith.constant 0 : i32
      %dma_wait3A_48 = arith.constant 0 : i32
      %dma_wait3A_49 = tpu.memref_slice %arg6[%dma_wait3A_47, %dma_wait3A_48] : memref<10000x64xf32, #tpu.memory_space<vmem_shared>> -> memref<10000x64xf32, #tpu.memory_space<vmem_shared>>
      tpu.wait_indirect_dma semaphore(%arg13 : memref<!tpu.dma_semaphore, #tpu.memory_space<semaphore_mem>>) src(%arg9 : memref<80x64xf32, #tpu.memory_space<vmem>>) dst(%dma_wait3A_49 : memref<10000x64xf32, #tpu.memory_space<vmem_shared>>)
    }
    %scan3A_11 = arith.constant 5 : i32
    %barrier3A_12 = arith.constant 0 : index
    tpu.barrier barrier_id(%barrier3A_12)
    %lt3A_13 = arith.constant 15 : i32
    %lt3A_14 = arith.cmpi slt, %arg1, %lt3A_13 : i32
    %convert_element_type3A_15 = arith.extui %lt3A_14 : i1 to i32
    %cond3A_16 = arith.constant 0 : i32
    %cond3A_17 = arith.cmpi ne, %convert_element_type3A_15, %cond3A_16 : i32
    scf.if %cond3A_17 {
      %mul3A_23 = arith.constant 624 : i32
      %mul3A_24 = arith.muli %arg1, %mul3A_23 : i32
      "tpu.region"() ({
        %run_scoped3A = tpu.sem_alloc : memref<!tpu.dma_semaphore, #tpu.memory_space<semaphore_mem>>
        %dma_start3A = arith.constant 0 : i32
        %dma_start3A_25 = tpu.memref_slice %arg4[%arg0, %mul3A_24, %dma_start3A] : memref<2x10000x64xf32, #tpu.memory_space<hbm>> -> memref<1x624x64xf32, #tpu.memory_space<hbm>>
        %dma_start3A_26 = tpu.memref_squeeze %dma_start3A_25 : memref<1x624x64xf32, #tpu.memory_space<hbm>> -> memref<624x64xf32, #tpu.memory_space<hbm>>
        %dma_start3A_27 = arith.constant 0 : i32
        %dma_start3A_28 = tpu.memref_slice %arg6[%mul3A_24, %dma_start3A_27] : memref<10000x64xf32, #tpu.memory_space<vmem_shared>> -> memref<624x64xf32, #tpu.memory_space<vmem_shared>>
        tpu.enqueue_dma source(%dma_start3A_28 : memref<624x64xf32, #tpu.memory_space<vmem_shared>>) target(%dma_start3A_26 : memref<624x64xf32, #tpu.memory_space<hbm>>) target_semaphore(%run_scoped3A : memref<!tpu.dma_semaphore, #tpu.memory_space<semaphore_mem>>)
        %dma_wait3A = arith.constant 0 : i32
        %dma_wait3A_29 = tpu.memref_slice %arg4[%arg0, %mul3A_24, %dma_wait3A] : memref<2x10000x64xf32, #tpu.memory_space<hbm>> -> memref<1x624x64xf32, #tpu.memory_space<hbm>>
        %dma_wait3A_30 = tpu.memref_squeeze %dma_wait3A_29 : memref<1x624x64xf32, #tpu.memory_space<hbm>> -> memref<624x64xf32, #tpu.memory_space<hbm>>
        %dma_wait3A_31 = arith.constant 0 : i32
        %dma_wait3A_32 = tpu.memref_slice %arg6[%mul3A_24, %dma_wait3A_31] : memref<10000x64xf32, #tpu.memory_space<vmem_shared>> -> memref<624x64xf32, #tpu.memory_space<vmem_shared>>
        tpu.wait_dma2 semaphore(%run_scoped3A : memref<!tpu.dma_semaphore, #tpu.memory_space<semaphore_mem>>) src(%dma_wait3A_32 : memref<624x64xf32, #tpu.memory_space<vmem_shared>>) dst(%dma_wait3A_30 : memref<624x64xf32, #tpu.memory_space<hbm>>)
        tpu.yield
      }) : () -> ()
    } else {
    }
    %eq3A_18 = arith.constant 15 : i32
    %eq3A_19 = arith.cmpi eq, %arg1, %eq3A_18 : i32
    %convert_element_type3A_20 = arith.extui %eq3A_19 : i1 to i32
    %cond3A_21 = arith.constant 0 : i32
    %cond3A_22 = arith.cmpi ne, %convert_element_type3A_20, %cond3A_21 : i32
    scf.if %cond3A_22 {
      "tpu.region"() ({
        %run_scoped3A = tpu.sem_alloc : memref<!tpu.dma_semaphore, #tpu.memory_space<semaphore_mem>>
        %dma_start3A = arith.constant 9360 : i32
        %dma_start3A_23 = arith.constant 0 : i32
        %dma_start3A_24 = tpu.memref_slice %arg4[%arg0, %dma_start3A, %dma_start3A_23] : memref<2x10000x64xf32, #tpu.memory_space<hbm>> -> memref<1x640x64xf32, #tpu.memory_space<hbm>>
        %dma_start3A_25 = tpu.memref_squeeze %dma_start3A_24 : memref<1x640x64xf32, #tpu.memory_space<hbm>> -> memref<640x64xf32, #tpu.memory_space<hbm>>
        %dma_start3A_26 = arith.constant 9360 : i32
        %dma_start3A_27 = arith.constant 0 : i32
        %dma_start3A_28 = tpu.memref_slice %arg6[%dma_start3A_26, %dma_start3A_27] : memref<10000x64xf32, #tpu.memory_space<vmem_shared>> -> memref<640x64xf32, #tpu.memory_space<vmem_shared>>
        tpu.enqueue_dma source(%dma_start3A_28 : memref<640x64xf32, #tpu.memory_space<vmem_shared>>) target(%dma_start3A_25 : memref<640x64xf32, #tpu.memory_space<hbm>>) target_semaphore(%run_scoped3A : memref<!tpu.dma_semaphore, #tpu.memory_space<semaphore_mem>>)
        %dma_wait3A = arith.constant 9360 : i32
        %dma_wait3A_29 = arith.constant 0 : i32
        %dma_wait3A_30 = tpu.memref_slice %arg4[%arg0, %dma_wait3A, %dma_wait3A_29] : memref<2x10000x64xf32, #tpu.memory_space<hbm>> -> memref<1x640x64xf32, #tpu.memory_space<hbm>>
        %dma_wait3A_31 = tpu.memref_squeeze %dma_wait3A_30 : memref<1x640x64xf32, #tpu.memory_space<hbm>> -> memref<640x64xf32, #tpu.memory_space<hbm>>
        %dma_wait3A_32 = arith.constant 9360 : i32
        %dma_wait3A_33 = arith.constant 0 : i32
        %dma_wait3A_34 = tpu.memref_slice %arg6[%dma_wait3A_32, %dma_wait3A_33] : memref<10000x64xf32, #tpu.memory_space<vmem_shared>> -> memref<640x64xf32, #tpu.memory_space<vmem_shared>>
        tpu.wait_dma2 semaphore(%run_scoped3A : memref<!tpu.dma_semaphore, #tpu.memory_space<semaphore_mem>>) src(%dma_wait3A_34 : memref<640x64xf32, #tpu.memory_space<vmem_shared>>) dst(%dma_wait3A_31 : memref<640x64xf32, #tpu.memory_space<hbm>>)
        tpu.yield
      }) : () -> ()
    } else {
    }
    return
  }
}

module attributes {stable_mosaic.version = 14 : i64} {
  func.func @_proj_body(%arg0: i32, %arg1: memref<2000x128xf32, #tpu.memory_space<vmem>>, %arg2: memref<128x64xf32, #tpu.memory_space<vmem>>, %arg3: memref<1x64xf32, #tpu.memory_space<vmem>>, %arg4: memref<2000x64xf32, #tpu.memory_space<vmem>>) attributes {dimension_semantics = [#tpu.dimension_semantics<parallel>], iteration_bounds = array<i64: 5>, scalar_prefetch = 0 : i64, scratch_operands = 0 : i64, tpu.core_type = #tpu.core_type<tc>, window_params = [{transform_indices = @transform_0, window_bounds = array<i64: 2000, 128>}, {pipeline_mode = #tpu.pipeline_mode<synchronous>, transform_indices = @transform_1, window_bounds = array<i64: 128, 64>}, {pipeline_mode = #tpu.pipeline_mode<synchronous>, transform_indices = @transform_2, window_bounds = array<i64: 1, 64>}, {transform_indices = @transform_3, window_bounds = array<i64: 2000, 64>}]} {
    %get3A = arith.constant 0 : index
    %get3A_0 = arith.constant 0 : index
    %get3A_1 = vector.load %arg1[%get3A, %get3A_0] : memref<2000x128xf32, #tpu.memory_space<vmem>>, vector<2000x128xf32>
    %get3A_2 = arith.constant 0 : index
    %get3A_3 = arith.constant 0 : index
    %get3A_4 = vector.load %arg2[%get3A_2, %get3A_3] : memref<128x64xf32, #tpu.memory_space<vmem>>, vector<128x64xf32>
    %dot_general3A = arith.constant dense<0.000000e+00> : vector<2000x64xf32>
    %dot_general3A_5 = tpu.matmul %get3A_1, %get3A_4, %dot_general3A {dimension_numbers = #tpu.dot_dimension_numbers<[1], [0], [0], [1], [0, 0, 1, 1], [], []>, transpose_lhs_hint = false} : vector<2000x128xf32>, vector<128x64xf32>, vector<2000x64xf32> -> vector<2000x64xf32>
    %get3A_6 = arith.constant 0 : index
    %get3A_7 = arith.constant 0 : index
    %get3A_8 = vector.load %arg3[%get3A_6, %get3A_7] : memref<1x64xf32, #tpu.memory_space<vmem>>, vector<1x64xf32>
    %add3A = vector.broadcast %get3A_8 : vector<1x64xf32> to vector<2000x64xf32>
    %add3A_9 = arith.addf %dot_general3A_5, %add3A : vector<2000x64xf32>
    %swap3A = arith.constant 0 : index
    %swap3A_10 = arith.constant 0 : index
    %swap3A_11 = vector.load %arg4[%swap3A, %swap3A_10] : memref<2000x64xf32, #tpu.memory_space<vmem>>, vector<2000x64xf32>
    tpu.vector_store %arg4[%swap3A, %swap3A_10], %add3A_9 {strides = array<i32>} : memref<2000x64xf32, #tpu.memory_space<vmem>>, vector<2000x64xf32>,
    return
  }
  func.func @transform_0(%arg0: i32) -> (i32, i32) {
    %c0_i32 = arith.constant 0 : i32
    %c0_i32_0 = arith.constant 0 : i32
    return %arg0, %c0_i32 : i32, i32
  }
  func.func @transform_1(%arg0: i32) -> (i32, i32) {
    %c0_i32 = arith.constant 0 : i32
    %c0_i32_0 = arith.constant 0 : i32
    %c0_i32_1 = arith.constant 0 : i32
    return %c0_i32, %c0_i32_0 : i32, i32
  }
  func.func @transform_2(%arg0: i32) -> (i32, i32) {
    %c0_i32 = arith.constant 0 : i32
    %c0_i32_0 = arith.constant 0 : i32
    %c0_i32_1 = arith.constant 0 : i32
    return %c0_i32, %c0_i32_0 : i32, i32
  }
  func.func @transform_3(%arg0: i32) -> (i32, i32) {
    %c0_i32 = arith.constant 0 : i32
    %c0_i32_0 = arith.constant 0 : i32
    return %arg0, %c0_i32 : i32, i32
  }
}

module attributes {stable_mosaic.version = 14 : i64} {
  func.func @_gin_mlp_body(%arg0: i32, %arg1: memref<2000x64xf32, #tpu.memory_space<vmem>>, %arg2: memref<2x2000x64xf32, #tpu.memory_space<vmem>>, %arg3: memref<64x64xf32, #tpu.memory_space<vmem>>, %arg4: memref<1x64xf32, #tpu.memory_space<vmem>>, %arg5: memref<64x64xf32, #tpu.memory_space<vmem>>, %arg6: memref<1x64xf32, #tpu.memory_space<vmem>>, %arg7: memref<2000x64xf32, #tpu.memory_space<vmem>>) attributes {dimension_semantics = [#tpu.dimension_semantics<parallel>], iteration_bounds = array<i64: 5>, scalar_prefetch = 0 : i64, scratch_operands = 0 : i64, tpu.core_type = #tpu.core_type<tc>, window_params = [{transform_indices = @transform_0, window_bounds = array<i64: 2000, 64>}, {transform_indices = @transform_1, window_bounds = array<i64: 2, 2000, 64>}, {pipeline_mode = #tpu.pipeline_mode<synchronous>, transform_indices = @transform_2, window_bounds = array<i64: 64, 64>}, {pipeline_mode = #tpu.pipeline_mode<synchronous>, transform_indices = @transform_3, window_bounds = array<i64: 1, 64>}, {pipeline_mode = #tpu.pipeline_mode<synchronous>, transform_indices = @transform_4, window_bounds = array<i64: 64, 64>}, {pipeline_mode = #tpu.pipeline_mode<synchronous>, transform_indices = @transform_5, window_bounds = array<i64: 1, 64>}, {transform_indices = @transform_6, window_bounds = array<i64: 2000, 64>}]} {
    %get3A = arith.constant 0 : index
    %get3A_0 = arith.constant 0 : index
    %get3A_1 = arith.constant 0 : index
    %get3A_2 = vector.load %arg2[%get3A, %get3A_0, %get3A_1] : memref<2x2000x64xf32, #tpu.memory_space<vmem>>, vector<1x2000x64xf32>
    %get3A_3 = vector.shape_cast %get3A_2 : vector<1x2000x64xf32> to vector<2000x64xf32>
    %get3A_4 = arith.constant 1 : index
    %get3A_5 = arith.constant 0 : index
    %get3A_6 = arith.constant 0 : index
    %get3A_7 = vector.load %arg2[%get3A_4, %get3A_5, %get3A_6] : memref<2x2000x64xf32, #tpu.memory_space<vmem>>, vector<1x2000x64xf32>
    %get3A_8 = vector.shape_cast %get3A_7 : vector<1x2000x64xf32> to vector<2000x64xf32>
    %add3A = arith.addf %get3A_3, %get3A_8 : vector<2000x64xf32>
    %get3A_9 = arith.constant 0 : index
    %get3A_10 = arith.constant 0 : index
    %get3A_11 = vector.load %arg1[%get3A_9, %get3A_10] : memref<2000x64xf32, #tpu.memory_space<vmem>>, vector<2000x64xf32>
    %sub3A = arith.subf %add3A, %get3A_11 : vector<2000x64xf32>
    %get3A_12 = arith.constant 0 : index
    %get3A_13 = arith.constant 0 : index
    %get3A_14 = vector.load %arg3[%get3A_12, %get3A_13] : memref<64x64xf32, #tpu.memory_space<vmem>>, vector<64x64xf32>
    %dot_general3A = arith.constant dense<0.000000e+00> : vector<2000x64xf32>
    %dot_general3A_15 = tpu.matmul %sub3A, %get3A_14, %dot_general3A {dimension_numbers = #tpu.dot_dimension_numbers<[1], [0], [0], [1], [0, 0, 1, 1], [], []>, transpose_lhs_hint = false} : vector<2000x64xf32>, vector<64x64xf32>, vector<2000x64xf32> -> vector<2000x64xf32>
    %get3A_16 = arith.constant 0 : index
    %get3A_17 = arith.constant 0 : index
    %get3A_18 = vector.load %arg4[%get3A_16, %get3A_17] : memref<1x64xf32, #tpu.memory_space<vmem>>, vector<1x64xf32>
    %add3A_19 = vector.broadcast %get3A_18 : vector<1x64xf32> to vector<2000x64xf32>
    %add3A_20 = arith.addf %dot_general3A_15, %add3A_19 : vector<2000x64xf32>
    %max3A = arith.constant 0.000000e+00 : f32
    %max3A_21 = vector.broadcast %max3A : f32 to vector<2000x64xf32>
    %max3A_22 = arith.maximumf %add3A_20, %max3A_21 : vector<2000x64xf32>
    %get3A_23 = arith.constant 0 : index
    %get3A_24 = arith.constant 0 : index
    %get3A_25 = vector.load %arg5[%get3A_23, %get3A_24] : memref<64x64xf32, #tpu.memory_space<vmem>>, vector<64x64xf32>
    %dot_general3A_26 = arith.constant dense<0.000000e+00> : vector<2000x64xf32>
    %dot_general3A_27 = tpu.matmul %max3A_22, %get3A_25, %dot_general3A_26 {dimension_numbers = #tpu.dot_dimension_numbers<[1], [0], [0], [1], [0, 0, 1, 1], [], []>, transpose_lhs_hint = false} : vector<2000x64xf32>, vector<64x64xf32>, vector<2000x64xf32> -> vector<2000x64xf32>
    %get3A_28 = arith.constant 0 : index
    %get3A_29 = arith.constant 0 : index
    %get3A_30 = vector.load %arg6[%get3A_28, %get3A_29] : memref<1x64xf32, #tpu.memory_space<vmem>>, vector<1x64xf32>
    %add3A_31 = vector.broadcast %get3A_30 : vector<1x64xf32> to vector<2000x64xf32>
    %add3A_32 = arith.addf %dot_general3A_27, %add3A_31 : vector<2000x64xf32>
    %swap3A = arith.constant 0 : index
    %swap3A_33 = arith.constant 0 : index
    %swap3A_34 = vector.load %arg7[%swap3A, %swap3A_33] : memref<2000x64xf32, #tpu.memory_space<vmem>>, vector<2000x64xf32>
    tpu.vector_store %arg7[%swap3A, %swap3A_33], %add3A_32 {strides = array<i32>} : memref<2000x64xf32, #tpu.memory_space<vmem>>, vector<2000x64xf32>,
    return
  }
  func.func @transform_0(%arg0: i32) -> (i32, i32) {
    %c0_i32 = arith.constant 0 : i32
    %c0_i32_0 = arith.constant 0 : i32
    return %arg0, %c0_i32 : i32, i32
  }
  func.func @transform_1(%arg0: i32) -> (i32, i32, i32) {
    %c0_i32 = arith.constant 0 : i32
    %c0_i32_0 = arith.constant 0 : i32
    %c0_i32_1 = arith.constant 0 : i32
    return %c0_i32, %arg0, %c0_i32_0 : i32, i32, i32
  }
  func.func @transform_2(%arg0: i32) -> (i32, i32) {
    %c0_i32 = arith.constant 0 : i32
    %c0_i32_0 = arith.constant 0 : i32
    %c0_i32_1 = arith.constant 0 : i32
    return %c0_i32, %c0_i32_0 : i32, i32
  }
  func.func @transform_3(%arg0: i32) -> (i32, i32) {
    %c0_i32 = arith.constant 0 : i32
    %c0_i32_0 = arith.constant 0 : i32
    %c0_i32_1 = arith.constant 0 : i32
    return %c0_i32, %c0_i32_0 : i32, i32
  }
  func.func @transform_4(%arg0: i32) -> (i32, i32) {
    %c0_i32 = arith.constant 0 : i32
    %c0_i32_0 = arith.constant 0 : i32
    %c0_i32_1 = arith.constant 0 : i32
    return %c0_i32, %c0_i32_0 : i32, i32
  }
  func.func @transform_5(%arg0: i32) -> (i32, i32) {
    %c0_i32 = arith.constant 0 : i32
    %c0_i32_0 = arith.constant 0 : i32
    %c0_i32_1 = arith.constant 0 : i32
    return %c0_i32, %c0_i32_0 : i32, i32
  }
  func.func @transform_6(%arg0: i32) -> (i32, i32) {
    %c0_i32 = arith.constant 0 : i32
    %c0_i32_0 = arith.constant 0 : i32
    return %arg0, %c0_i32 : i32, i32
  }
}

module attributes {stable_mosaic.version = 14 : i64} {
  func.func @_gram_body(%arg0: i32, %arg1: memref<400x64xf32, #tpu.memory_space<vmem>>, %arg2: memref<10000x64xf32, #tpu.memory_space<vmem>>, %arg3: memref<400x10000xf32, #tpu.memory_space<vmem>>) attributes {dimension_semantics = [#tpu.dimension_semantics<parallel>], iteration_bounds = array<i64: 25>, scalar_prefetch = 0 : i64, scratch_operands = 0 : i64, tpu.core_type = #tpu.core_type<tc>, window_params = [{transform_indices = @transform_0, window_bounds = array<i64: 400, 64>}, {pipeline_mode = #tpu.pipeline_mode<synchronous>, transform_indices = @transform_1, window_bounds = array<i64: 10000, 64>}, {transform_indices = @transform_2, window_bounds = array<i64: 400, 10000>}]} {
    %get3A = arith.constant 0 : index
    %get3A_0 = arith.constant 0 : index
    %get3A_1 = vector.load %arg1[%get3A, %get3A_0] : memref<400x64xf32, #tpu.memory_space<vmem>>, vector<400x64xf32>
    %get3A_2 = arith.constant 0 : index
    %get3A_3 = arith.constant 0 : index
    %get3A_4 = vector.load %arg2[%get3A_2, %get3A_3] : memref<10000x64xf32, #tpu.memory_space<vmem>>, vector<10000x64xf32>
    %dot_general3A = arith.constant dense<0.000000e+00> : vector<400x10000xf32>
    %dot_general3A_5 = tpu.matmul %get3A_1, %get3A_4, %dot_general3A {dimension_numbers = #tpu.dot_dimension_numbers<[1], [1], [0], [0], [0, 0, 1, 0], [], []>, transpose_lhs_hint = false} : vector<400x64xf32>, vector<10000x64xf32>, vector<400x10000xf32> -> vector<400x10000xf32>
    %swap3A = arith.constant 0 : index
    %swap3A_6 = arith.constant 0 : index
    %swap3A_7 = vector.load %arg3[%swap3A, %swap3A_6] : memref<400x10000xf32, #tpu.memory_space<vmem>>, vector<400x10000xf32>
    tpu.vector_store %arg3[%swap3A, %swap3A_6], %dot_general3A_5 {strides = array<i32>} : memref<400x10000xf32, #tpu.memory_space<vmem>>, vector<400x10000xf32>,
    return
  }
  func.func @transform_0(%arg0: i32) -> (i32, i32) {
    %c0_i32 = arith.constant 0 : i32
    %c0_i32_0 = arith.constant 0 : i32
    return %arg0, %c0_i32 : i32, i32
  }
  func.func @transform_1(%arg0: i32) -> (i32, i32) {
    %c0_i32 = arith.constant 0 : i32
    %c0_i32_0 = arith.constant 0 : i32
    %c0_i32_1 = arith.constant 0 : i32
    return %c0_i32, %c0_i32_0 : i32, i32
  }
  func.func @transform_2(%arg0: i32) -> (i32, i32) {
    %c0_i32 = arith.constant 0 : i32
    %c0_i32_0 = arith.constant 0 : i32
    return %arg0, %c0_i32 : i32, i32
  }
}

module attributes {stable_mosaic.version = 14 : i64} {
  func.func @_gin_mlp_body(%arg0: i32, %arg1: memref<2000x64xf32, #tpu.memory_space<vmem>>, %arg2: memref<2x2000x64xf32, #tpu.memory_space<vmem>>, %arg3: memref<64x64xf32, #tpu.memory_space<vmem>>, %arg4: memref<1x64xf32, #tpu.memory_space<vmem>>, %arg5: memref<64x128xf32, #tpu.memory_space<vmem>>, %arg6: memref<1x128xf32, #tpu.memory_space<vmem>>, %arg7: memref<2000x128xf32, #tpu.memory_space<vmem>>) attributes {dimension_semantics = [#tpu.dimension_semantics<parallel>], iteration_bounds = array<i64: 5>, scalar_prefetch = 0 : i64, scratch_operands = 0 : i64, tpu.core_type = #tpu.core_type<tc>, window_params = [{transform_indices = @transform_0, window_bounds = array<i64: 2000, 64>}, {transform_indices = @transform_1, window_bounds = array<i64: 2, 2000, 64>}, {pipeline_mode = #tpu.pipeline_mode<synchronous>, transform_indices = @transform_2, window_bounds = array<i64: 64, 64>}, {pipeline_mode = #tpu.pipeline_mode<synchronous>, transform_indices = @transform_3, window_bounds = array<i64: 1, 64>}, {pipeline_mode = #tpu.pipeline_mode<synchronous>, transform_indices = @transform_4, window_bounds = array<i64: 64, 128>}, {pipeline_mode = #tpu.pipeline_mode<synchronous>, transform_indices = @transform_5, window_bounds = array<i64: 1, 128>}, {transform_indices = @transform_6, window_bounds = array<i64: 2000, 128>}]} {
    %get3A = arith.constant 0 : index
    %get3A_0 = arith.constant 0 : index
    %get3A_1 = arith.constant 0 : index
    %get3A_2 = vector.load %arg2[%get3A, %get3A_0, %get3A_1] : memref<2x2000x64xf32, #tpu.memory_space<vmem>>, vector<1x2000x64xf32>
    %get3A_3 = vector.shape_cast %get3A_2 : vector<1x2000x64xf32> to vector<2000x64xf32>
    %get3A_4 = arith.constant 1 : index
    %get3A_5 = arith.constant 0 : index
    %get3A_6 = arith.constant 0 : index
    %get3A_7 = vector.load %arg2[%get3A_4, %get3A_5, %get3A_6] : memref<2x2000x64xf32, #tpu.memory_space<vmem>>, vector<1x2000x64xf32>
    %get3A_8 = vector.shape_cast %get3A_7 : vector<1x2000x64xf32> to vector<2000x64xf32>
    %add3A = arith.addf %get3A_3, %get3A_8 : vector<2000x64xf32>
    %get3A_9 = arith.constant 0 : index
    %get3A_10 = arith.constant 0 : index
    %get3A_11 = vector.load %arg1[%get3A_9, %get3A_10] : memref<2000x64xf32, #tpu.memory_space<vmem>>, vector<2000x64xf32>
    %sub3A = arith.subf %add3A, %get3A_11 : vector<2000x64xf32>
    %get3A_12 = arith.constant 0 : index
    %get3A_13 = arith.constant 0 : index
    %get3A_14 = vector.load %arg3[%get3A_12, %get3A_13] : memref<64x64xf32, #tpu.memory_space<vmem>>, vector<64x64xf32>
    %dot_general3A = arith.constant dense<0.000000e+00> : vector<2000x64xf32>
    %dot_general3A_15 = tpu.matmul %sub3A, %get3A_14, %dot_general3A {dimension_numbers = #tpu.dot_dimension_numbers<[1], [0], [0], [1], [0, 0, 1, 1], [], []>, transpose_lhs_hint = false} : vector<2000x64xf32>, vector<64x64xf32>, vector<2000x64xf32> -> vector<2000x64xf32>
    %get3A_16 = arith.constant 0 : index
    %get3A_17 = arith.constant 0 : index
    %get3A_18 = vector.load %arg4[%get3A_16, %get3A_17] : memref<1x64xf32, #tpu.memory_space<vmem>>, vector<1x64xf32>
    %add3A_19 = vector.broadcast %get3A_18 : vector<1x64xf32> to vector<2000x64xf32>
    %add3A_20 = arith.addf %dot_general3A_15, %add3A_19 : vector<2000x64xf32>
    %max3A = arith.constant 0.000000e+00 : f32
    %max3A_21 = vector.broadcast %max3A : f32 to vector<2000x64xf32>
    %max3A_22 = arith.maximumf %add3A_20, %max3A_21 : vector<2000x64xf32>
    %get3A_23 = arith.constant 0 : index
    %get3A_24 = arith.constant 0 : index
    %get3A_25 = vector.load %arg5[%get3A_23, %get3A_24] : memref<64x128xf32, #tpu.memory_space<vmem>>, vector<64x128xf32>
    %dot_general3A_26 = arith.constant dense<0.000000e+00> : vector<2000x128xf32>
    %dot_general3A_27 = tpu.matmul %max3A_22, %get3A_25, %dot_general3A_26 {dimension_numbers = #tpu.dot_dimension_numbers<[1], [0], [0], [1], [0, 0, 1, 1], [], []>, transpose_lhs_hint = false} : vector<2000x64xf32>, vector<64x128xf32>, vector<2000x128xf32> -> vector<2000x128xf32>
    %get3A_28 = arith.constant 0 : index
    %get3A_29 = arith.constant 0 : index
    %get3A_30 = vector.load %arg6[%get3A_28, %get3A_29] : memref<1x128xf32, #tpu.memory_space<vmem>>, vector<1x128xf32>
    %add3A_31 = vector.broadcast %get3A_30 : vector<1x128xf32> to vector<2000x128xf32>
    %add3A_32 = arith.addf %dot_general3A_27, %add3A_31 : vector<2000x128xf32>
    %swap3A = arith.constant 0 : index
    %swap3A_33 = arith.constant 0 : index
    %swap3A_34 = vector.load %arg7[%swap3A, %swap3A_33] : memref<2000x128xf32, #tpu.memory_space<vmem>>, vector<2000x128xf32>
    tpu.vector_store %arg7[%swap3A, %swap3A_33], %add3A_32 {strides = array<i32>} : memref<2000x128xf32, #tpu.memory_space<vmem>>, vector<2000x128xf32>,
    return
  }
  func.func @transform_0(%arg0: i32) -> (i32, i32) {
    %c0_i32 = arith.constant 0 : i32
    %c0_i32_0 = arith.constant 0 : i32
    return %arg0, %c0_i32 : i32, i32
  }
  func.func @transform_1(%arg0: i32) -> (i32, i32, i32) {
    %c0_i32 = arith.constant 0 : i32
    %c0_i32_0 = arith.constant 0 : i32
    %c0_i32_1 = arith.constant 0 : i32
    return %c0_i32, %arg0, %c0_i32_0 : i32, i32, i32
  }
  func.func @transform_2(%arg0: i32) -> (i32, i32) {
    %c0_i32 = arith.constant 0 : i32
    %c0_i32_0 = arith.constant 0 : i32
    %c0_i32_1 = arith.constant 0 : i32
    return %c0_i32, %c0_i32_0 : i32, i32
  }
  func.func @transform_3(%arg0: i32) -> (i32, i32) {
    %c0_i32 = arith.constant 0 : i32
    %c0_i32_0 = arith.constant 0 : i32
    %c0_i32_1 = arith.constant 0 : i32
    return %c0_i32, %c0_i32_0 : i32, i32
  }
  func.func @transform_4(%arg0: i32) -> (i32, i32) {
    %c0_i32 = arith.constant 0 : i32
    %c0_i32_0 = arith.constant 0 : i32
    %c0_i32_1 = arith.constant 0 : i32
    return %c0_i32, %c0_i32_0 : i32, i32
  }
  func.func @transform_5(%arg0: i32) -> (i32, i32) {
    %c0_i32 = arith.constant 0 : i32
    %c0_i32_0 = arith.constant 0 : i32
    %c0_i32_1 = arith.constant 0 : i32
    return %c0_i32, %c0_i32_0 : i32, i32
  }
  func.func @transform_6(%arg0: i32) -> (i32, i32) {
    %c0_i32 = arith.constant 0 : i32
    %c0_i32_0 = arith.constant 0 : i32
    return %arg0, %c0_i32 : i32, i32
  }
}

</mosaic_0001>

<sc_bundles>
// kernel: kernel.11.cloned.1.call-start
scs
__scs_entry_jumppad:
0x0: {  	(pc) =	sbr.rel $0x88, $3  }
0x1: {  	(tag) =	ssettag $0x0;
	lr =	simm.s32 $0x1  }
0x2: {  	[smem:$0x3F95] =	sst lr;
	_ =	strace $0xD0000000  }
0x3: {  	_ = 	snop  }
0x4: {  	_ = 	snop  }
0x5: {  	_ = 	snop  }
0x6: {  	_ = 	snop  }
0x7: {  	_ = 	snop  }
__scs_overlays_trampoline_lowered:
0x8: {  	[smem:$0x3FA4] =	sst s0  }
0x9: {  	[smem:$0x3FA5] =	sst s1  }
0xa: {  	[smem:$0x3FA6] =	sst s2  }
0xb: {  	[smem:$0x3FA7] =	sst s3  }
0xc: {  	[smem:$0x3FA8] =	sst s4  }
0xd: {  	[smem:$0x3FA9] =	sst s5  }
0xe: {  	[smem:$0x3FAA] =	sst s6  }
0xf: {  	[smem:$0x3FAB] =	sst s7  }
0x10: {  	[smem:$0x3FAC] =	sst s8  }
0x11: {  	[smem:$0x3FAD] =	sst s9;
	s0 =	simm.s32 @!p0 $0x0  }
0x12: {  	s1 =	sld [smem:$0x3F93];
	s0 =	simm.s32 @p0 $0x1  }
0x13: {  	[smem:$0x3FAE] =	sst s0;
	s0 =	simm.s32 @!p1 $0x0  }
0x14: {  	s2 =	sld [smem:$0x3F92];
	s0 =	simm.s32 @p1 $0x1  }
0x15: {  	[smem:$0x3FAF] =	sst s0;
	s0 =	simm.s32 @!p2 $0x0  }
0x16: {  	s3 =	sld [smem:$0x3FDB];
	s0 =	simm.s32 @p2 $0x1  }
0x17: {  	s4 =	simm.s32 $0x1BF5;
	[smem:$0x3FB1] =	sst s0  }
0x18: {  	s0 =	sld [smem:$0x3F94];
	_ =	swait.ge [sflag:s4], $0x0  }
0x19: {  	s7 =	sld [smem:$0x3F95]  }
0x1a: {  	s8 =	sadd.s32 $0xFFFFE003, lr  }
0x1b: {  	s9 =	sadd.s32 $0xFFFFFEF7, lr;
	s5 =	simm.s32 $0xFFFFFFFF;
	p2 =	slt.u32 s8, $0xFFFFF086  }
0x1c: {  	p1 =	slt.u32 s9, $0xF7A;
	s5 =	simm.s32 @!p2 $0x0  }
0x1d: {  	s5 =	simm.s32 @p1 $0x1;
	p0 =	seq.s32 s7, s2  }
0x1e: {  	s7 =	smul.u32 @!p0 $0xF7A, s2;
	p2 =	seq.s32 @!p0 s5, $0x0  }
0x1f: {  	s9 =	smul.u32 $0xF7A, s1;
	s8 =	simm.s32 @!p0 $0x1BF5;
	p2 =	por !p2, p0  }
0x20: {  	[sflag:s8] =	ssyncset.s32 @!p0 $0xFFFFF086;
	s6 =	sadd.s32 @!p0 s3, s7;
	s7 =	simm.s32 @!p0 $0x108  }
0x21: {  	s3 =	sadd.s32 s3, s9;
	s6 =	sadd.s32 @!p0 $0x88, s6;
	s7 =	simm.s32 @p2 $0x1082  }
0x22: {  	[simem:s7], [sflag:s8] =	dma.local @!p0 [hbm:s6], $0xF7A  }
0x23: {  	s9 =	sor.u32 $0xD0000000, s2;
	s6 =	simm.s32 $0x108;
	_ =	swait.ge @!p0 [sflag:s8], $0x0  }
0x24: {  	s3 =	sadd.s32 $0x88, s3;
	s6 =	simm.s32 @!p1 $0x1082;
	[sflag:s4] =	ssyncset.s32 $0xFFFFF086  }
0x25: {  	[simem:s6], [sflag:s4] =	dma.local [hbm:s3], $0xF7A  }
0x26: {  	[smem:$0x3F95] =	sst s1;
	(tag) =	ssettag s2;
	_ =	strace s9  }
0x27: {  	s1 =	sld [smem:$0x3FA5]  }
0x28: {  	s2 =	sld [smem:$0x3FA6]  }
0x29: {  	s4 =	sld [smem:$0x3FA8]  }
0x2a: {  	p0 =	seq.s32 s5, $0x0;
	s5 =	sld [smem:$0x3FA9]  }
0x2b: {  	s6 =	sld [smem:$0x3FAA]  }
0x2c: {  	s7 =	sld [smem:$0x3FAB]  }
0x2d: {  	s3 =	simm.s32 $0x108;
	s8 =	sld [smem:$0x3FAC]  }
0x2e: {  	s3 =	simm.s32 @!p0 $0x1082;
	s9 =	sld [smem:$0x3FAD]  }
0x2f: {  	lr =	sadd.s32 s0, s3;
	s0 =	sld [smem:$0x3FA4]  }
0x30: {  	s3 =	sld [smem:$0x3FA7]  }
0x31: {  	[smem:$0x3FB0] =	sst s10  }
0x32: {  	s10 =	sld [smem:$0x3FAE];
	_ =	sdelay $0x3  }
0x33: {  	p0 =	seq.s32 s10, $0x1;
	s10 =	sld [smem:$0x3FB0];
	_ =	sdelay $0x3  }
0x34: {  	[smem:$0x3FB0] =	sst s10  }
0x35: {  	s10 =	sld [smem:$0x3FAF];
	_ =	sdelay $0x3  }
0x36: {  	p1 =	seq.s32 s10, $0x1;
	s10 =	sld [smem:$0x3FB0];
	_ =	sdelay $0x3  }
0x37: {  	[smem:$0x3FB0] =	sst s10  }
0x38: {  	s10 =	sld [smem:$0x3FB1]  }
0x39: {  	_ = 	snop;
	(pc) =	sbr.ind lr, $3  }
0x3a: {  	_ = 	snop  }
0x3b: {  	_ = 	snop  }
0x3c: {  	p2 =	seq.s32 s10, $0x1;
	s10 =	sld [smem:$0x3FB0]  }
0x3d: {  	_ =	shalt  }
0x3e: {  	_ =	shalt  }
0x3f: {  	_ =	shalt  }
0x40: {  	_ =	shalt  }
0x41: {  	_ =	shalt  }
0x42: {  	_ =	shalt  }
0x43: {  	_ =	shalt  }
0x44: {  	_ =	shalt  }
0x45: {  	_ =	shalt  }
0x46: {  	_ =	shalt  }
0x47: {  	_ =	shalt  }
0x48: {  	_ =	shalt  }
0x49: {  	_ =	shalt  }
0x4a: {  	_ =	shalt  }
0x4b: {  	_ =	shalt  }
0x4c: {  	_ =	shalt  }
0x4d: {  	_ =	shalt  }
0x4e: {  	_ =	shalt  }
0x4f: {  	_ =	shalt  }
0x50: {  	_ =	shalt  }
0x51: {  	_ =	shalt  }
0x52: {  	_ =	shalt  }
0x53: {  	_ =	shalt  }
0x54: {  	_ =	shalt  }
0x55: {  	_ =	shalt  }
0x56: {  	_ =	shalt  }
0x57: {  	_ =	shalt  }
0x58: {  	_ =	shalt  }
0x59: {  	_ =	shalt  }
0x5a: {  	_ =	shalt  }
0x5b: {  	_ =	shalt  }
0x5c: {  	_ =	shalt  }
0x5d: {  	_ =	shalt  }
0x5e: {  	_ =	shalt  }
0x5f: {  	_ =	shalt  }
0x60: {  	_ =	shalt  }
0x61: {  	_ =	shalt  }
0x62: {  	_ =	shalt  }
0x63: {  	_ =	shalt  }
0x64: {  	_ =	shalt  }
0x65: {  	_ =	shalt  }
0x66: {  	_ =	shalt  }
0x67: {  	_ =	shalt  }
0x68: {  	_ =	shalt  }
0x69: {  	_ =	shalt  }
0x6a: {  	_ =	shalt  }
0x6b: {  	_ =	shalt  }
0x6c: {  	_ =	shalt  }
0x6d: {  	_ =	shalt  }
0x6e: {  	_ =	shalt  }
0x6f: {  	_ =	shalt  }
0x70: {  	_ =	shalt  }
0x71: {  	_ =	shalt  }
0x72: {  	_ =	shalt  }
0x73: {  	_ =	shalt  }
0x74: {  	_ =	shalt  }
0x75: {  	_ =	shalt  }
0x76: {  	_ =	shalt  }
0x77: {  	_ =	shalt  }
0x78: {  	_ =	shalt  }
0x79: {  	_ =	shalt  }
0x7a: {  	_ =	shalt  }
0x7b: {  	_ =	shalt  }
0x7c: {  	_ =	shalt  }
0x7d: {  	_ =	shalt  }
0x7e: {  	_ =	shalt  }
0x7f: {  	_ =	shalt  }
0x80: {  	_ =	shalt  }
0x81: {  	_ =	shalt  }
0x82: {  	_ =	shalt  }
0x83: {  	_ =	shalt  }
0x84: {  	_ =	shalt  }
0x85: {  	_ =	shalt  }
0x86: {  	_ =	shalt  }
0x87: {  	_ =	shalt  }
.Lfunc_end0:
.L_simem_size_0:
called_computation.1_lowered:
.L_overlay_start_0:
0x88: {  	s2 =	sld [smem:$0x3FD9]  }
0x89: {  	s3 =	sld [smem:$0x3FFE];
	_ =	sdelay $0x1  }
0x8a: {  	s1 =	srdreg.scid  }
0x8b: {  	s0 =	sand.u32 $0x1, s1  }
0x8c: {  	s14 =	sshll.u32 s0, $0xA;
	s2 =	sadd.s32 s3, s2  }
0x8d: {  	s2 =	sadd.s32 s2, s14  }
0x8e: {  	[smem:$0x3FBC] =	sst s2  }
0x8f: {  	_ = 	snop  }
0x90: {  	s2 =	sld [smem:$0x3FD0];
	_ =	sdelay $0x2  }
0x91: {  	s15 =	simm.s32 $0xA;
	s4 =	simm.s32 $0x10  }
0x92: {  	[smem:s4], [sflag:s15] =	dma.local [hbm:s2], $0x1  }
0x93: {  	_ =	swait.eq [sflag:s15], $0x1  }
0x94: {  	[sflag:s15] =	ssyncset.done $0x0  }
0x95: {  	[sflag:s15] =	ssyncadd.s32 $0xFFFFFFFF  }
0x96: {  	s16 =	sld [smem:$0x10];
	(tm) =	ssettm $0x1  }
0x97: {  	s17 =	sld [smem:$0x3FFB];
	_ =	sdelay $0x3  }
0x98: {  	_ =	strace s17  }
0x99: {  	s3 =	sld [smem:$0x3FFC];
	_ =	sdelay $0x3  }
0x9a: {  	_ =	strace s3  }
0x9b: {  	s3 =	sld [smem:$0x3FFD];
	_ =	sdelay $0x3  }
0x9c: {  	_ =	strace s3  }
0x9d: {  	_ =	strace $0x8FFFFFFF  }
0x9e: {  	s18 =	sld [smem:$0x3FDB];
	_ =	sdelay $0x1  }
0x9f: {  	s19 =	simm.s32 $_scs_section_size  }
0xa0: {  	s5 =	simm.s32 $_size__tile_overlayer_lowered;
	s6 =	simm.s32 $_tile_overlayer_lowered  }
0xa1: {  	s22 =	simm.s32 $0x1BFF;
	s21 =	sshll.u32 s6, $0x1;
	s3 =	sadd.s32 s19, s18  }
0xa2: {  	s7 =	simm.s32 $0x0;
	s20 =	sshll.u32 s5, $0x1;
	s5 =	sadd.s32 s21, s3  }
0xa3: {  	[timem:s7], [sflag:s22] =	dma.local [hbm:s5], s20  }
0xa4: {  	_ =	swait.ge [sflag:s22], s20  }
0xa5: {  	s4 =	ssub.s32 $0x0, s20;
	[sflag:s22] =	ssyncset.done $0x0  }
0xa6: {  	[sflag:s22] =	ssyncadd.s32 s4;
	_ =	sdelay $0x1  }
0xa7: {  	s23 =	simm.s32 $0x1B8B  }
0xa8: {  	_ =	swait.ge [sflag:s23], $0x1  }
0xa9: {  	[sflag:s23] =	ssyncset.done $0x0  }
0xaa: {  	s25 =	simm.s32 $0x1B8E;
	s24 =	sld [smem:$0x3FFE];
	[sflag:s23] =	ssyncadd.s32 $0xFFFFFFFF  }
0xab: {  	s26 =	simm.s32 $execute0_lowered;
	[smem:$0x3FD2] =	sst s25  }
0xac: {  	s5 =	sshll.u32 s26, $0x1;
	_ =	strace $0x80000049;
	[dreg:$0x1] =	wrdreg $0xFFFFFFFF  }
0xad: {  	s28 =	simm.s32 $_size_execute0_lowered;
	s3 =	sadd.s32 s3, s5;
	[dreg:$0x0] =	wrdreg $0x0  }
0xae: {  	s5 =	sshll.u32 s28, $0x1;
	[dreg:$0x2] =	wrdreg s3  }
0xaf: {  	[dreg:$0x3] =	wrdreg s5  }
0xb0: {  	[dreg:$0x4] =	wrdreg $0xC0  }
0xb1: {  	_ =	task [dreg:s7], $0x5FFFF  }
0xb2: {  	[dreg:$0x1] =	wrdreg $0xFFFFFFFF  }
0xb3: {  	[dreg:$0x0] =	wrdreg $0x60  }
0xb4: {  	[dreg:$0x2] =	wrdreg s24  }
0xb5: {  	[dreg:$0x3] =	wrdreg s16  }
0xb6: {  	[dreg:$0x4] =	wrdreg $0x0  }
0xb7: {  	[dreg:$0x5] =	wrdreg $0x9C400  }
0xb8: {  	[dreg:$0x6] =	wrdreg $0x9  }
0xb9: {  	_ =	task.clear_ibuf [dreg:s7], $0x7FFFF;
	_ =	strace $0x90000049  }
0xba: {  	s29 =	simm.s32 $0x9;
	_ =	strace $0x8000004B  }
0xbb: {  	_ =	swait.ge [sflag:s29], $0x1  }
0xbc: {  	[sflag:s29] =	ssyncadd.s32 $0xFFFFFFFF  }
0xbd: {  	_ =	strace $0x9000004B  }
0xbe: {  	_ =	sfence  }
0xbf: {  	s30 =	sld [smem:$0x0];
	_ =	sdelay $0x2  }
0xc0: {  	s31 =	sshll.u32 s1, $0xD;
	s1 =	sshrl.u32 s1, $0x2  }
0xc1: {  	s3 =	sand.u32 $0x4000, s31;
	s1 =	sadd.s32 s1, s30  }
0xc2: {  	s0 =	sor.u32 s3, s0;
	s1 =	sshll.u32 s1, $0x11  }
0xc3: {  	s0 =	sor.u32 s1, s0  }
0xc4: {  	s0 =	sadd.s32 $0x8F2B, s0  }
0xc5: {  	[sflag:s0] =	ssyncadd.remote.s32 $0x1  }
0xc6: {  	_ =	sfence.sel $0xFFFF  }
0xc7: {  	[dreg:$0x0] =	wrdreg $0xFFFFFFFF;
	(pc) =	sbr.abs _section_cstart, $3  }
0xc8: {  	[dreg:$0x1] =	wrdreg $0xFFFFFFFF  }
0xc9: {  	_ =	task.clear_ibuf [dreg:s7], $0x2FFFF;
	_ =	strace $0x9FFFFFFF  }
0xca: {  	(tm) =	ssettm $0x7FFFFFFF  }
0xcb: {  	_ =	shalt  }
tec
execute0_lowered:
.L_overlay_start_1:
0x0: {  	(tag) =	ssettag $0x1  }
0x1: {  	s0 =	rddreg [dreg:$0x0]  }
0x2: {  	s1 =	rddreg [dreg:$0x1]  }
0x3: {  	s2 =	rddreg [dreg:$0x2]  }
0x4: {  	s3 =	rddreg [dreg:$0x3]  }
0x5: {  	s14 =	stileid.u32;
	s5 =	srdreg.scid  }
0x6: {  	s4 =	simm.s32 $0x0;
	s17 =	simm.s32 $0x13880;
	s18 =	simm.s32 $0x5  }
0x7: {  	s19 =	simm.s32 $0x50;
	s20 =	simm.s32 $0x14820;
	s21 =	simm.s32 $0x4  }
0x8: {  	s22 =	simm.s32 $0x15C20;
	s23 =	simm.s32 $0x1;
	s24 =	simm.s32 $0x147D0  }
0x9: {  	s8 =	smul.u32 $0x9C00, s14;
	s9 =	sand.u32 $0x1, s5;
	[smem:$0x7FF] =	sst s4  }
0xa: {  	s5 =	sadd.s32 $0x1C00, s0;
	s12 =	sadd.s32 $0x92400, s2;
	s13 =	sadd.s32 $0x92400, s3  }
0xb: {  	p0 =	seq.s32 s14, $0xF;
	s6 =	ssub.s32 $0x2, s9;
	_ =	strace $0x8000004A  }
0xc: {  	s26 =	smul.u32 $0x9C400, s9;
	s28 =	sshll.u32 s9, $0x4;
	s12 =	sshrl.u32 @p0 s12, $0x3  }
0xd: {  	s13 =	sshrl.u32 @p0 s13, $0x3;
	s25 =	sshrl.u32 s8, $0x3;
	s10 =	sshrl.u32 s6, $0x1  }
0xe: {  	s15 =	sadd.s32 s8, s2;
	s16 =	sadd.s32 s8, s3;
	s7 =	sadd.s32 s25, s0  }
0xf: {  	s11 =	ssub.s32 s6, s10;
	s29 =	sadd.s32 s8, s26;
	s10 =	sshrl.u32 s26, $0x3  }
0x10: {  	s15 =	sshrl.u32 @!p0 s15, $0x3;
	s6 =	sadd.s32 $0x15600, s7;
	s7 =	sadd.s32 $0x27A80, s0  }
.Ltmp0:
0x11: {  	s0 =	sor.u32 s14, s28;
	s30 =	sshrl.u32 s29, $0x3;
	(pc) =	sbr.rel .LBB2_1-.Ltmp0, $4  }
0x12: {  	s31 =	sadd.s32 s1, s10;
	s8 =	smul.u32 $0x2710, s0;
	s0 =	sadd.s32 s1, s30  }
0x13: {  	s16 =	sshrl.u32 @!p0 s16, $0x3;
	[dreg:$0x5] =	wrdreg s0;
	s0 =	sadd.s32 $0x12480, s31  }
0x14: {  	s25 =	simm.s32 $0x3;
	[dreg:$0x6] =	wrdreg s0;
	s0 =	sshll.u32 @!p0 s14, $0x6  }
0x15: {  	s26 =	simm.s32 $0x0;
	s11 =	smax.u32 s11, $0x1;
	s14 =	sor.u32 @!p0 $0x1C05, s0  }
.LBB2_10:
0x16: {  	[bflag:$0x0] =	sbarrier.arrive $0xFFFF  }
0x17: {  	s0 =	simm.s32 @p0 $0x1FC5;
	s1 =	rddreg [dreg:$0x6]  }
0x18: {  	[hbm:s1], [sflag:s0] =	dma.local @p0 [spmem:s13], $0x1400  }
0x19: {  	s0 =	simm.s32 @p0 $0x5  }
0x1a: {  	_ =	swait.ge @p0 [sflag:s0], $0x1400  }
0x1b: {  	s26 =	sadd.s32 $0x1, s26;
	[sflag:s0] =	ssyncset.done @p0 $0x0  }
0x1c: {  	p1 =	sne.s32 s26, s11;
	[sflag:s0] =	ssyncadd.s32 @p0 $0xFFFFEC00;
	s0 =	rddreg [dreg:$0x5]  }
0x1d: {  	[hbm:s0], [sflag:s14] =	dma.local @!p0 [spmem:s16], $0x1380  }
.Ltmp1:
0x1e: {  	_ = 	snop;
	(pc) =	sbr.rel @!p1 .LBB2_11-.Ltmp1, $4  }
0x1f: {  	s0 =	simm.s32 @!p0 $0x5  }
0x20: {  	_ =	swait.ge @!p0 [sflag:s0], $0x1380  }
0x21: {  	[sflag:s0] =	ssyncset.done @!p0 $0x0  }
0x22: {  	[sflag:s0] =	ssyncadd.s32 @!p0 $0xFFFFEC80  }
.LBB2_1:
0x23: {  	s0 =	simm.s32 @p0 $0x1FC5;
	s1 =	simm.s32 @p0 $0x5  }
0x24: {  	[spmem:s12], [sflag:s0] =	dma.local @p0 [hbm:s7], $0x1400  }
0x25: {  	_ =	swait.ge @p0 [sflag:s1], $0x1400  }
0x26: {  	[sflag:s1] =	ssyncset.done @p0 $0x0  }
0x27: {  	[sflag:s1] =	ssyncadd.s32 @p0 $0xFFFFEC00  }
0x28: {  	[spmem:s13], [sflag:s0] =	dma.local @p0 [hbm:s7], $0x1400  }
0x29: {  	_ =	swait.ge @p0 [sflag:s1], $0x1400  }
0x2a: {  	[sflag:s1] =	ssyncset.done @p0 $0x0  }
0x2b: {  	s0 =	simm.s32 @!p0 $0x5;
	[sflag:s1] =	ssyncadd.s32 @p0 $0xFFFFEC00  }
0x2c: {  	[spmem:s15], [sflag:s14] =	dma.local @!p0 [hbm:s6], $0x1380  }
0x2d: {  	_ =	swait.ge @!p0 [sflag:s0], $0x1380  }
0x2e: {  	[sflag:s0] =	ssyncset.done @!p0 $0x0  }
0x2f: {  	[sflag:s0] =	ssyncadd.s32 @!p0 $0xFFFFEC80  }
0x30: {  	[spmem:s16], [sflag:s14] =	dma.local @!p0 [hbm:s6], $0x1380  }
.Ltmp2:
0x31: {  	_ =	swait.ge @!p0 [sflag:s0], $0x1380;
	(pc) =	sbr.rel .LBB2_2-.Ltmp2, $4  }
0x32: {  	[sflag:s0] =	ssyncset.done @!p0 $0x0  }
0x33: {  	[sflag:s0] =	ssyncadd.s32 @!p0 $0xFFFFEC80  }
0x34: {  	[bflag:$0x0] =	sbarrier.arrive $0xFFFF  }
0x35: {  	s28 =	simm.s32 $0x0  }
.LBB2_9:
0x36: {  	_ =	swait.ge [sflag:s23], $0x1400  }
0x37: {  	[sflag:s23] =	ssyncset.done $0x0  }
0x38: {  	s28 =	sadd.s32 $0x1, s28;
	[sflag:s23] =	ssyncadd.s32 $0xFFFFEC00  }
0x39: {  	[spmem:s3] =	stream.indirect.scatter.add.f32 [tilespmem:s20], [sflag:$0x3], $0x40, s24, s19, $0xb8;
	[tilespmem:$0x17020] =	vst v63  }
0x3a: {  	p1 =	sne.s32 s28, $0x5;
	_ =	swait.ge [sflag:s21], $0x1400  }
.Ltmp3:
0x3b: {  	[sflag:s21] =	ssyncset.done $0x0;
	(pc) =	sbr.rel @!p1 .LBB2_10-.Ltmp3, $4  }
0x3c: {  	[sflag:s21] =	ssyncadd.s32 $0xFFFFEC00  }
0x3d: {  	_ =	swait.ge [sflag:s25], $0x1400  }
0x3e: {  	[sflag:s25] =	ssyncset.done $0x0  }
0x3f: {  	[sflag:s25] =	ssyncadd.s32 $0xFFFFEC00  }
.LBB2_2:
0x40: {  	s0 =	smul.u32 $0x7D0, s28;
	_ =	sdelay $0x1  }
0x41: {  	s0 =	sadd.s32 s8, s0  }
0x42: {  	s0 =	sshrl.u32 s0, $0x3  }
0x43: {  	s0 =	sadd.s32 s5, s0  }
0x44: {  	[tilespmem:s17], [sflag:$0x5] =	stream.linear.gather [hbm4b:s0+s4], $0x7D0, $0x38;
	[tilespmem:$0x17020] =	vst v63  }
0x45: {  	_ =	swait.ge [sflag:s18], $0x7D0  }
0x46: {  	[sflag:s18] =	ssyncset.done $0x0  }
0x47: {  	s29 =	simm.s32 $0x14050;
	s0 =	sadd.s32 $0x9C40, s0;
	[sflag:s18] =	ssyncadd.s32 $0xFFFFF830  }
0x48: {  	[tilespmem:s29], [sflag:$0x5] =	stream.linear.gather [hbm4b:s0+s4], $0x7D0, $0x38;
	[tilespmem:$0x17020] =	vst v63  }
.Ltmp4:
0x49: {  	_ = 	snop;
	(pc) =	sbr.rel .LBB2_3-.Ltmp4, $4  }
0x4a: {  	_ =	swait.ge [sflag:s18], $0x7D0  }
0x4b: {  	[sflag:s18] =	ssyncset.done $0x0  }
0x4c: {  	s30 =	simm.s32 $0x1;
	s31 =	simm.s32 $0x138D0;
	[sflag:s18] =	ssyncadd.s32 $0xFFFFF830  }
0x4d: {  	[tilespmem:s20], [sflag:$0x1] =	stream.indirect.gather [spmem:s2], $0x40, s17, s19, $0xb8;
	[tilespmem:$0x17020] =	vst v63  }
.LBB2_4:
0x4e: {  	p2 =	seq.s32 s0, $0x0  }
0x4f: {  	p3 =	seq.s32 @!p2 s0, $0x18  }
0x50: {  	p2 =	por p2, p3  }
.Ltmp5:
0x51: {  	_ = 	snop;
	(pc) =	sbr.rel @!p2 .LBB2_5-.Ltmp5, $1  }
0x52: {  	_ =	sdelay $0x3  }
.LBB2_7:
0x53: {  	[tilespmem:s22], [sflag:$0x2] =	stream.indirect.gather [spmem:s2], $0x40, s31, s19, $0xb8;
	[tilespmem:$0x17020] =	vst v63  }
.LBB2_8:
0x54: {  	s0 =	simm.s32 @p1 $0x2  }
0x55: {  	_ =	swait.ge @p1 [sflag:s0], $0x1400  }
0x56: {  	[sflag:s0] =	ssyncset.done @p1 $0x0  }
0x57: {  	s1 =	simm.s32 @p1 $0x15C20;
	[sflag:s0] =	ssyncadd.s32 @p1 $0xFFFFEC00;
	s0 =	simm.s32 @p1 $0x50  }
0x58: {  	[spmem:s3] =	stream.indirect.scatter.add.f32 @p1 [tilespmem:s1], [sflag:$0x4], $0x40, s29, s0, $0xb8;
	[tilespmem:$0x17020] =	vst v63  }
0x59: {  	s0 =	simm.s32 @!p1 $0x1  }
0x5a: {  	_ =	swait.ge @!p1 [sflag:s0], $0x1400  }
0x5b: {  	s30 =	sadd.s32 $0x1, s30;
	[sflag:s0] =	ssyncset.done @!p1 $0x0  }
0x5c: {  	s1 =	simm.s32 @!p1 $0x14820;
	[sflag:s0] =	ssyncadd.s32 @!p1 $0xFFFFEC00;
	s0 =	simm.s32 @!p1 $0x50  }
0x5d: {  	[spmem:s3] =	stream.indirect.scatter.add.f32 @!p1 [tilespmem:s1], [sflag:$0x3], $0x40, s29, s0, $0xb8;
	[tilespmem:$0x17020] =	vst v63  }
0x5e: {  	p1 =	sne.s32 s30, $0x19  }
.Ltmp6:
0x5f: {  	_ = 	snop;
	(pc) =	sbr.rel @!p1 .LBB2_9-.Ltmp6, $2  }
0x60: {  	_ =	sdelay $0x2  }
0x61: {  	s31 =	sadd.s32 $0x50, s31;
	s29 =	sadd.s32 $0x50, s29  }
.LBB2_3:
0x62: {  	s0 =	sadd.s32 $0xFFFFFFFF, s30;
	s1 =	sand.u32 $0x1, s30  }
0x63: {  	s9 =	sand.u32 $0x1, s0;
	p3 =	seq.s32 s1, $0x0  }
.Ltmp7:
0x64: {  	p2 =	seq.s32 s9, $0x0;
	(pc) =	sbr.rel @p3 .LBB2_6-.Ltmp7, $4  }
.Ltmp8:
0x65: {  	s10 =	simm.s32 @!p2 $0x3;
	(pc) =	sbr.rel @!p3 .LBB2_4-.Ltmp8, $4  }
0x66: {  	_ =	swait.ge @!p2 [sflag:s10], $0x1400  }
0x67: {  	[sflag:s10] =	ssyncset.done @!p2 $0x0  }
0x68: {  	p1 =	seq.s32 s9, $0x1;
	[sflag:s10] =	ssyncadd.s32 @!p2 $0xFFFFEC00  }
0x69: {  	_ = 	snop  }
.LBB2_5:
0x6a: {  	_ =	swait.ge [sflag:s21], $0x1400  }
0x6b: {  	[sflag:s21] =	ssyncset.done $0x0  }
0x6c: {  	[sflag:s21] =	ssyncadd.s32 $0xFFFFEC00  }
.LBB2_6:
0x6d: {  	p2 =	seq.s32 s1, $0x1  }
.Ltmp9:
0x6e: {  	_ = 	snop;
	(pc) =	sbr.rel @!p2 .LBB2_8-.Ltmp9, $4  }
.Ltmp10:
0x6f: {  	_ = 	snop;
	(pc) =	sbr.rel @p2 .LBB2_7-.Ltmp10, $4  }
0x70: {  	_ = 	snop  }
0x71: {  	s0 =	simm.s32 @p1 $0x50;
	s9 =	simm.s32 @p1 $0x14820  }
0x72: {  	[tilespmem:s9], [sflag:$0x1] =	stream.indirect.gather @p1 [spmem:s2], $0x40, s31, s0, $0xb8;
	[tilespmem:$0x17020] =	vst v63  }
0x73: {  	_ = 	snop  }
.LBB2_11:
0x74: {  	_ =	sfence.sel $0x180000  }
0x75: {  	[bflag:$0x0] =	sbarrier.arrive $0xFFFF  }
0x76: {  	_ =	strace $0x9000004A  }
0x77: {  	s0 =	stileid.u32;
	[bflag:$0x2] =	sbarrier.arrive $0xFFFF  }
0x78: {  	p0 =	sne.s32 s0, $0x0;
	s0 =	rddreg [dreg:$0x4]  }
0x79: {  	s0 =	sadd.s32 @!p0 $0x100000, s0  }
0x7a: {  	[sflag:s0] =	ssyncadd.tile.s32 @!p0 $0x1;
	_ =	shalt  }
.Lfunc_end2:
_tile_overlayer_lowered:
.L_overlay_start_2:
0x7b: {  	(tag) =	ssettag $0x2  }
0x7c: {  	s0 =	rddreg [dreg:$0x0];
	s2 =	stileid.u32  }
0x7d: {  	s1 =	rddreg [dreg:$0x1];
	p0 =	sne.s32 s2, $0x0  }
0x7e: {  	s3 =	rddreg [dreg:$0x2];
	[bflag:$0x3] =	sbarrier.arrive $0xFFFF;
	s2 =	simm.s32 @!p0 $0x1C05  }
0x7f: {  	[timem:s3], [sflag:s2] =	dma.local @!p0 [hbm:s0], s1  }
0x80: {  	s0 =	simm.s32 @!p0 $0x5  }
0x81: {  	_ =	swait.ge @!p0 [sflag:s0], s1  }
0x82: {  	s1 =	ssub.s32 @!p0 $0x0, s1;
	[sflag:s0] =	ssyncset.done @!p0 $0x0  }
0x83: {  	[sflag:s0] =	ssyncadd.s32 @!p0 s1  }
0x84: {  	[bflag:$0x3] =	sbarrier.arrive $0xFFFF  }
0x85: {  	_ =	shalt  }

// kernel: kernel.8.cloned.1.call-start
scs
__scs_entry_jumppad:
0x0: {  	(pc) =	sbr.rel $0x88, $3  }
0x1: {  	(tag) =	ssettag $0x0;
	lr =	simm.s32 $0x1  }
0x2: {  	[smem:$0x3F95] =	sst lr;
	_ =	strace $0xD0000000  }
0x3: {  	_ = 	snop  }
0x4: {  	_ = 	snop  }
0x5: {  	_ = 	snop  }
0x6: {  	_ = 	snop  }
0x7: {  	_ = 	snop  }
__scs_overlays_trampoline_lowered:
0x8: {  	[smem:$0x3FA4] =	sst s0  }
0x9: {  	[smem:$0x3FA5] =	sst s1  }
0xa: {  	[smem:$0x3FA6] =	sst s2  }
0xb: {  	[smem:$0x3FA7] =	sst s3  }
0xc: {  	[smem:$0x3FA8] =	sst s4  }
0xd: {  	[smem:$0x3FA9] =	sst s5  }
0xe: {  	[smem:$0x3FAA] =	sst s6  }
0xf: {  	[smem:$0x3FAB] =	sst s7  }
0x10: {  	[smem:$0x3FAC] =	sst s8  }
0x11: {  	[smem:$0x3FAD] =	sst s9;
	s0 =	simm.s32 @!p0 $0x0  }
0x12: {  	s1 =	sld [smem:$0x3F93];
	s0 =	simm.s32 @p0 $0x1  }
0x13: {  	[smem:$0x3FAE] =	sst s0;
	s0 =	simm.s32 @!p1 $0x0  }
0x14: {  	s2 =	sld [smem:$0x3F92];
	s0 =	simm.s32 @p1 $0x1  }
0x15: {  	[smem:$0x3FAF] =	sst s0;
	s0 =	simm.s32 @!p2 $0x0  }
0x16: {  	s3 =	sld [smem:$0x3FDB];
	s0 =	simm.s32 @p2 $0x1  }
0x17: {  	s4 =	simm.s32 $0x1BF5;
	[smem:$0x3FB1] =	sst s0  }
0x18: {  	s0 =	sld [smem:$0x3F94];
	_ =	swait.ge [sflag:s4], $0x0  }
0x19: {  	s7 =	sld [smem:$0x3F95]  }
0x1a: {  	s8 =	sadd.s32 $0xFFFFE003, lr  }
0x1b: {  	s9 =	sadd.s32 $0xFFFFFEF7, lr;
	s5 =	simm.s32 $0xFFFFFFFF;
	p2 =	slt.u32 s8, $0xFFFFF086  }
0x1c: {  	p1 =	slt.u32 s9, $0xF7A;
	s5 =	simm.s32 @!p2 $0x0  }
0x1d: {  	s5 =	simm.s32 @p1 $0x1;
	p0 =	seq.s32 s7, s2  }
0x1e: {  	s7 =	smul.u32 @!p0 $0xF7A, s2;
	p2 =	seq.s32 @!p0 s5, $0x0  }
0x1f: {  	s9 =	smul.u32 $0xF7A, s1;
	s8 =	simm.s32 @!p0 $0x1BF5;
	p2 =	por !p2, p0  }
0x20: {  	[sflag:s8] =	ssyncset.s32 @!p0 $0xFFFFF086;
	s6 =	sadd.s32 @!p0 s3, s7;
	s7 =	simm.s32 @!p0 $0x108  }
0x21: {  	s3 =	sadd.s32 s3, s9;
	s6 =	sadd.s32 @!p0 $0x88, s6;
	s7 =	simm.s32 @p2 $0x1082  }
0x22: {  	[simem:s7], [sflag:s8] =	dma.local @!p0 [hbm:s6], $0xF7A  }
0x23: {  	s9 =	sor.u32 $0xD0000000, s2;
	s6 =	simm.s32 $0x108;
	_ =	swait.ge @!p0 [sflag:s8], $0x0  }
0x24: {  	s3 =	sadd.s32 $0x88, s3;
	s6 =	simm.s32 @!p1 $0x1082;
	[sflag:s4] =	ssyncset.s32 $0xFFFFF086  }
0x25: {  	[simem:s6], [sflag:s4] =	dma.local [hbm:s3], $0xF7A  }
0x26: {  	[smem:$0x3F95] =	sst s1;
	(tag) =	ssettag s2;
	_ =	strace s9  }
0x27: {  	s1 =	sld [smem:$0x3FA5]  }
0x28: {  	s2 =	sld [smem:$0x3FA6]  }
0x29: {  	s4 =	sld [smem:$0x3FA8]  }
0x2a: {  	p0 =	seq.s32 s5, $0x0;
	s5 =	sld [smem:$0x3FA9]  }
0x2b: {  	s6 =	sld [smem:$0x3FAA]  }
0x2c: {  	s7 =	sld [smem:$0x3FAB]  }
0x2d: {  	s3 =	simm.s32 $0x108;
	s8 =	sld [smem:$0x3FAC]  }
0x2e: {  	s3 =	simm.s32 @!p0 $0x1082;
	s9 =	sld [smem:$0x3FAD]  }
0x2f: {  	lr =	sadd.s32 s0, s3;
	s0 =	sld [smem:$0x3FA4]  }
0x30: {  	s3 =	sld [smem:$0x3FA7]  }
0x31: {  	[smem:$0x3FB0] =	sst s10  }
0x32: {  	s10 =	sld [smem:$0x3FAE];
	_ =	sdelay $0x3  }
0x33: {  	p0 =	seq.s32 s10, $0x1;
	s10 =	sld [smem:$0x3FB0];
	_ =	sdelay $0x3  }
0x34: {  	[smem:$0x3FB0] =	sst s10  }
0x35: {  	s10 =	sld [smem:$0x3FAF];
	_ =	sdelay $0x3  }
0x36: {  	p1 =	seq.s32 s10, $0x1;
	s10 =	sld [smem:$0x3FB0];
	_ =	sdelay $0x3  }
0x37: {  	[smem:$0x3FB0] =	sst s10  }
0x38: {  	s10 =	sld [smem:$0x3FB1]  }
0x39: {  	_ = 	snop;
	(pc) =	sbr.ind lr, $3  }
0x3a: {  	_ = 	snop  }
0x3b: {  	_ = 	snop  }
0x3c: {  	p2 =	seq.s32 s10, $0x1;
	s10 =	sld [smem:$0x3FB0]  }
0x3d: {  	_ =	shalt  }
0x3e: {  	_ =	shalt  }
0x3f: {  	_ =	shalt  }
0x40: {  	_ =	shalt  }
0x41: {  	_ =	shalt  }
0x42: {  	_ =	shalt  }
0x43: {  	_ =	shalt  }
0x44: {  	_ =	shalt  }
0x45: {  	_ =	shalt  }
0x46: {  	_ =	shalt  }
0x47: {  	_ =	shalt  }
0x48: {  	_ =	shalt  }
0x49: {  	_ =	shalt  }
0x4a: {  	_ =	shalt  }
0x4b: {  	_ =	shalt  }
0x4c: {  	_ =	shalt  }
0x4d: {  	_ =	shalt  }
0x4e: {  	_ =	shalt  }
0x4f: {  	_ =	shalt  }
0x50: {  	_ =	shalt  }
0x51: {  	_ =	shalt  }
0x52: {  	_ =	shalt  }
0x53: {  	_ =	shalt  }
0x54: {  	_ =	shalt  }
0x55: {  	_ =	shalt  }
0x56: {  	_ =	shalt  }
0x57: {  	_ =	shalt  }
0x58: {  	_ =	shalt  }
0x59: {  	_ =	shalt  }
0x5a: {  	_ =	shalt  }
0x5b: {  	_ =	shalt  }
0x5c: {  	_ =	shalt  }
0x5d: {  	_ =	shalt  }
0x5e: {  	_ =	shalt  }
0x5f: {  	_ =	shalt  }
0x60: {  	_ =	shalt  }
0x61: {  	_ =	shalt  }
0x62: {  	_ =	shalt  }
0x63: {  	_ =	shalt  }
0x64: {  	_ =	shalt  }
0x65: {  	_ =	shalt  }
0x66: {  	_ =	shalt  }
0x67: {  	_ =	shalt  }
0x68: {  	_ =	shalt  }
0x69: {  	_ =	shalt  }
0x6a: {  	_ =	shalt  }
0x6b: {  	_ =	shalt  }
0x6c: {  	_ =	shalt  }
0x6d: {  	_ =	shalt  }
0x6e: {  	_ =	shalt  }
0x6f: {  	_ =	shalt  }
0x70: {  	_ =	shalt  }
0x71: {  	_ =	shalt  }
0x72: {  	_ =	shalt  }
0x73: {  	_ =	shalt  }
0x74: {  	_ =	shalt  }
0x75: {  	_ =	shalt  }
0x76: {  	_ =	shalt  }
0x77: {  	_ =	shalt  }
0x78: {  	_ =	shalt  }
0x79: {  	_ =	shalt  }
0x7a: {  	_ =	shalt  }
0x7b: {  	_ =	shalt  }
0x7c: {  	_ =	shalt  }
0x7d: {  	_ =	shalt  }
0x7e: {  	_ =	shalt  }
0x7f: {  	_ =	shalt  }
0x80: {  	_ =	shalt  }
0x81: {  	_ =	shalt  }
0x82: {  	_ =	shalt  }
0x83: {  	_ =	shalt  }
0x84: {  	_ =	shalt  }
0x85: {  	_ =	shalt  }
0x86: {  	_ =	shalt  }
0x87: {  	_ =	shalt  }
.Lfunc_end0:
.L_simem_size_0:
called_computation_lowered:
.L_overlay_start_0:
0x88: {  	s2 =	sld [smem:$0x3FD9]  }
0x89: {  	s3 =	sld [smem:$0x3FFE];
	_ =	sdelay $0x1  }
0x8a: {  	s1 =	srdreg.scid  }
0x8b: {  	s0 =	sand.u32 $0x1, s1  }
0x8c: {  	s14 =	sshll.u32 s0, $0xA;
	s2 =	sadd.s32 s3, s2  }
0x8d: {  	s2 =	sadd.s32 s2, s14  }
0x8e: {  	[smem:$0x3FBC] =	sst s2  }
0x8f: {  	_ = 	snop  }
0x90: {  	s2 =	sld [smem:$0x3FD0];
	_ =	sdelay $0x2  }
0x91: {  	s15 =	simm.s32 $0xA;
	s4 =	simm.s32 $0x10  }
0x92: {  	[smem:s4], [sflag:s15] =	dma.local [hbm:s2], $0x1  }
0x93: {  	_ =	swait.eq [sflag:s15], $0x1  }
0x94: {  	[sflag:s15] =	ssyncset.done $0x0  }
0x95: {  	s16 =	sld [smem:$0x10];
	[sflag:s15] =	ssyncadd.s32 $0xFFFFFFFF  }
0x96: {  	s17 =	sld [smem:$0x11];
	(tm) =	ssettm $0x1  }
0x97: {  	s18 =	sld [smem:$0x3FFB];
	_ =	sdelay $0x3  }
0x98: {  	_ =	strace s18  }
0x99: {  	s4 =	sld [smem:$0x3FFC];
	_ =	sdelay $0x3  }
0x9a: {  	_ =	strace s4  }
0x9b: {  	s4 =	sld [smem:$0x3FFD];
	_ =	sdelay $0x3  }
0x9c: {  	_ =	strace s4  }
0x9d: {  	_ =	strace $0x8FFFFFFF  }
0x9e: {  	s19 =	sld [smem:$0x3FDB];
	_ =	sdelay $0x1  }
0x9f: {  	s5 =	simm.s32 $_scs_section_size  }
0xa0: {  	s6 =	simm.s32 $_size__tile_overlayer_lowered;
	s7 =	simm.s32 $_tile_overlayer_lowered  }
0xa1: {  	s22 =	simm.s32 $0x1BFF;
	s21 =	sshll.u32 s7, $0x1;
	s4 =	sadd.s32 s5, s19  }
0xa2: {  	s8 =	simm.s32 $0x0;
	s20 =	sshll.u32 s6, $0x1;
	s6 =	sadd.s32 s21, s4  }
0xa3: {  	[timem:s8], [sflag:s22] =	dma.local [hbm:s6], s20  }
0xa4: {  	_ =	swait.ge [sflag:s22], s20  }
0xa5: {  	s5 =	ssub.s32 $0x0, s20;
	[sflag:s22] =	ssyncset.done $0x0  }
0xa6: {  	[sflag:s22] =	ssyncadd.s32 s5;
	_ =	sdelay $0x1  }
0xa7: {  	s23 =	simm.s32 $0x1B8B  }
0xa8: {  	_ =	swait.ge [sflag:s23], $0x1  }
0xa9: {  	[sflag:s23] =	ssyncset.done $0x0  }
0xaa: {  	s25 =	simm.s32 $0x1B8E;
	s24 =	sld [smem:$0x3FFE];
	[sflag:s23] =	ssyncadd.s32 $0xFFFFFFFF  }
0xab: {  	s26 =	simm.s32 $execute0_lowered;
	[smem:$0x3FD2] =	sst s25  }
0xac: {  	s6 =	sshll.u32 s26, $0x1;
	_ =	strace $0x80000046;
	[dreg:$0x1] =	wrdreg $0xFFFFFFFF  }
0xad: {  	s28 =	simm.s32 $_size_execute0_lowered;
	s4 =	sadd.s32 s4, s6;
	[dreg:$0x0] =	wrdreg $0x0  }
0xae: {  	s6 =	sshll.u32 s28, $0x1;
	[dreg:$0x2] =	wrdreg s4  }
0xaf: {  	[dreg:$0x3] =	wrdreg s6  }
0xb0: {  	[dreg:$0x4] =	wrdreg $0xC0  }
0xb1: {  	_ =	task [dreg:s8], $0x5FFFF  }
0xb2: {  	[dreg:$0x1] =	wrdreg $0xFFFFFFFF  }
0xb3: {  	[dreg:$0x0] =	wrdreg $0x60  }
0xb4: {  	[dreg:$0x2] =	wrdreg s17  }
0xb5: {  	[dreg:$0x3] =	wrdreg s24  }
0xb6: {  	[dreg:$0x4] =	wrdreg s16  }
0xb7: {  	[dreg:$0x5] =	wrdreg $0x0  }
0xb8: {  	[dreg:$0x6] =	wrdreg $0x9C400  }
0xb9: {  	[dreg:$0x7] =	wrdreg $0x9  }
0xba: {  	_ =	task.clear_ibuf [dreg:s8], $0x8FFFF;
	_ =	strace $0x90000046  }
0xbb: {  	s29 =	simm.s32 $0x9;
	_ =	strace $0x80000048  }
0xbc: {  	_ =	swait.ge [sflag:s29], $0x1  }
0xbd: {  	[sflag:s29] =	ssyncadd.s32 $0xFFFFFFFF  }
0xbe: {  	_ =	strace $0x90000048  }
0xbf: {  	_ =	sfence  }
0xc0: {  	s30 =	sld [smem:$0x0];
	_ =	sdelay $0x2  }
0xc1: {  	s31 =	sshll.u32 s1, $0xD;
	s1 =	sshrl.u32 s1, $0x2  }
0xc2: {  	s3 =	sand.u32 $0x4000, s31;
	s1 =	sadd.s32 s1, s30  }
0xc3: {  	s0 =	sor.u32 s3, s0;
	s1 =	sshll.u32 s1, $0x11  }
0xc4: {  	s0 =	sor.u32 s1, s0  }
0xc5: {  	s0 =	sadd.s32 $0x8F2B, s0  }
0xc6: {  	[sflag:s0] =	ssyncadd.remote.s32 $0x1  }
0xc7: {  	_ =	sfence.sel $0xFFFF  }
0xc8: {  	[dreg:$0x0] =	wrdreg $0xFFFFFFFF;
	(pc) =	sbr.abs _section_cstart, $3  }
0xc9: {  	[dreg:$0x1] =	wrdreg $0xFFFFFFFF  }
0xca: {  	_ =	task.clear_ibuf [dreg:s8], $0x2FFFF;
	_ =	strace $0x9FFFFFFF  }
0xcb: {  	(tm) =	ssettm $0x7FFFFFFF  }
tec
execute0_lowered:
.L_overlay_start_1:
0x0: {  	(tag) =	ssettag $0x1  }
0x1: {  	s0 =	rddreg [dreg:$0x0]  }
0x2: {  	s2 =	rddreg [dreg:$0x1]  }
0x3: {  	s10 =	rddreg [dreg:$0x2]  }
0x4: {  	s1 =	rddreg [dreg:$0x3]  }
0x5: {  	s3 =	rddreg [dreg:$0x4];
	s5 =	srdreg.scid  }
0x6: {  	s4 =	simm.s32 $0x0;
	s14 =	stileid.u32;
	s17 =	simm.s32 $0x13880  }
0x7: {  	s18 =	simm.s32 $0x5;
	s19 =	simm.s32 $0x50;
	s20 =	simm.s32 $0x14820  }
0x8: {  	s21 =	simm.s32 $0x4;
	s22 =	simm.s32 $0x15C20;
	s23 =	simm.s32 $0x1  }
0x9: {  	s24 =	simm.s32 $0x147D0;
	s25 =	simm.s32 $0x3;
	s8 =	sand.u32 $0x1, s5  }
0xa: {  	[smem:$0x7FF] =	sst s4;
	s9 =	smul.u32 $0x9C00, s14;
	s5 =	sadd.s32 $0x1C00, s2  }
0xb: {  	s12 =	sadd.s32 $0x92400, s1;
	s7 =	sadd.s32 $0x12480, s0;
	s13 =	sadd.s32 $0x92400, s3  }
0xc: {  	p0 =	seq.s32 s14, $0xF;
	s6 =	ssub.s32 $0x2, s8;
	_ =	strace $0x80000047  }
0xd: {  	s11 =	smul.u32 $0x9C400, s8;
	s29 =	sshll.u32 s8, $0x4;
	s12 =	sshrl.u32 @p0 s12, $0x3  }
0xe: {  	s13 =	sshrl.u32 @p0 s13, $0x3;
	s26 =	sshrl.u32 s6, $0x1;
	s15 =	sadd.s32 s9, s1  }
0xf: {  	s28 =	sshrl.u32 s9, $0x3;
	s16 =	sadd.s32 s9, s3;
	s2 =	ssub.s32 s6, s26  }
0x10: {  	s6 =	sadd.s32 s0, s28;
	s0 =	sor.u32 s14, s29;
	s9 =	sadd.s32 s9, s11  }
.Ltmp0:
0x11: {  	s11 =	sshrl.u32 s11, $0x3;
	s30 =	sshrl.u32 s9, $0x3;
	(pc) =	sbr.rel .LBB2_1-.Ltmp0, $4  }
0x12: {  	s8 =	smul.u32 $0x2710, s0;
	s31 =	sadd.s32 s10, s11;
	s0 =	sadd.s32 s10, s30  }
0x13: {  	s15 =	sshrl.u32 @!p0 s15, $0x3;
	[dreg:$0x6] =	wrdreg s0;
	s0 =	sadd.s32 $0x12480, s31  }
0x14: {  	s16 =	sshrl.u32 @!p0 s16, $0x3;
	[dreg:$0x7] =	wrdreg s0;
	s0 =	sshll.u32 @!p0 s14, $0x6  }
0x15: {  	s26 =	simm.s32 $0x0;
	s11 =	smax.u32 s2, $0x1;
	s14 =	sor.u32 @!p0 $0x1C05, s0  }
.LBB2_10:
0x16: {  	[bflag:$0x0] =	sbarrier.arrive $0xFFFF  }
0x17: {  	s0 =	simm.s32 @p0 $0x1FC5;
	s2 =	rddreg [dreg:$0x7]  }
0x18: {  	[hbm:s2], [sflag:s0] =	dma.local @p0 [spmem:s13], $0x1400  }
0x19: {  	s0 =	simm.s32 @p0 $0x5  }
0x1a: {  	_ =	swait.ge @p0 [sflag:s0], $0x1400  }
0x1b: {  	s26 =	sadd.s32 $0x1, s26;
	[sflag:s0] =	ssyncset.done @p0 $0x0  }
0x1c: {  	p1 =	sne.s32 s26, s11;
	[sflag:s0] =	ssyncadd.s32 @p0 $0xFFFFEC00;
	s0 =	rddreg [dreg:$0x6]  }
0x1d: {  	[hbm:s0], [sflag:s14] =	dma.local @!p0 [spmem:s16], $0x1380  }
.Ltmp1:
0x1e: {  	_ = 	snop;
	(pc) =	sbr.rel @!p1 .LBB2_11-.Ltmp1, $4  }
0x1f: {  	s0 =	simm.s32 @!p0 $0x5  }
0x20: {  	_ =	swait.ge @!p0 [sflag:s0], $0x1380  }
0x21: {  	[sflag:s0] =	ssyncset.done @!p0 $0x0  }
0x22: {  	[sflag:s0] =	ssyncadd.s32 @!p0 $0xFFFFEC80  }
.LBB2_1:
0x23: {  	s0 =	simm.s32 @p0 $0x1FC5;
	s2 =	simm.s32 @p0 $0x5  }
0x24: {  	[spmem:s12], [sflag:s0] =	dma.local @p0 [hbm:s7], $0x1400  }
0x25: {  	_ =	swait.ge @p0 [sflag:s2], $0x1400  }
0x26: {  	[sflag:s2] =	ssyncset.done @p0 $0x0  }
0x27: {  	[sflag:s2] =	ssyncadd.s32 @p0 $0xFFFFEC00  }
0x28: {  	[spmem:s13], [sflag:s0] =	dma.local @p0 [hbm:s7], $0x1400  }
0x29: {  	_ =	swait.ge @p0 [sflag:s2], $0x1400  }
0x2a: {  	[sflag:s2] =	ssyncset.done @p0 $0x0  }
0x2b: {  	s0 =	simm.s32 @!p0 $0x5;
	[sflag:s2] =	ssyncadd.s32 @p0 $0xFFFFEC00  }
0x2c: {  	[spmem:s15], [sflag:s14] =	dma.local @!p0 [hbm:s6], $0x1380  }
0x2d: {  	_ =	swait.ge @!p0 [sflag:s0], $0x1380  }
0x2e: {  	[sflag:s0] =	ssyncset.done @!p0 $0x0  }
0x2f: {  	[sflag:s0] =	ssyncadd.s32 @!p0 $0xFFFFEC80  }
0x30: {  	[spmem:s16], [sflag:s14] =	dma.local @!p0 [hbm:s6], $0x1380  }
.Ltmp2:
0x31: {  	_ =	swait.ge @!p0 [sflag:s0], $0x1380;
	(pc) =	sbr.rel .LBB2_2-.Ltmp2, $4  }
0x32: {  	[sflag:s0] =	ssyncset.done @!p0 $0x0  }
0x33: {  	[sflag:s0] =	ssyncadd.s32 @!p0 $0xFFFFEC80  }
0x34: {  	[bflag:$0x0] =	sbarrier.arrive $0xFFFF  }
0x35: {  	s28 =	simm.s32 $0x0  }
.LBB2_9:
0x36: {  	_ =	swait.ge [sflag:s23], $0x1400  }
0x37: {  	[sflag:s23] =	ssyncset.done $0x0  }
0x38: {  	s28 =	sadd.s32 $0x1, s28;
	[sflag:s23] =	ssyncadd.s32 $0xFFFFEC00  }
0x39: {  	[spmem:s3] =	stream.indirect.scatter.add.f32 [tilespmem:s20], [sflag:$0x3], $0x40, s24, s19, $0xb8;
	[tilespmem:$0x17020] =	vst v63  }
0x3a: {  	p1 =	sne.s32 s28, $0x5;
	_ =	swait.ge [sflag:s21], $0x1400  }
.Ltmp3:
0x3b: {  	[sflag:s21] =	ssyncset.done $0x0;
	(pc) =	sbr.rel @!p1 .LBB2_10-.Ltmp3, $4  }
0x3c: {  	[sflag:s21] =	ssyncadd.s32 $0xFFFFEC00  }
0x3d: {  	_ =	swait.ge [sflag:s25], $0x1400  }
0x3e: {  	[sflag:s25] =	ssyncset.done $0x0  }
0x3f: {  	[sflag:s25] =	ssyncadd.s32 $0xFFFFEC00  }
.LBB2_2:
0x40: {  	s0 =	smul.u32 $0x7D0, s28;
	_ =	sdelay $0x1  }
0x41: {  	s0 =	sadd.s32 s8, s0  }
0x42: {  	s0 =	sshrl.u32 s0, $0x3  }
0x43: {  	s0 =	sadd.s32 s5, s0  }
0x44: {  	[tilespmem:s17], [sflag:$0x5] =	stream.linear.gather [hbm4b:s0+s4], $0x7D0, $0x38;
	[tilespmem:$0x17020] =	vst v63  }
0x45: {  	_ =	swait.ge [sflag:s18], $0x7D0  }
0x46: {  	[sflag:s18] =	ssyncset.done $0x0  }
0x47: {  	s29 =	simm.s32 $0x14050;
	s0 =	sadd.s32 $0x9C40, s0;
	[sflag:s18] =	ssyncadd.s32 $0xFFFFF830  }
0x48: {  	[tilespmem:s29], [sflag:$0x5] =	stream.linear.gather [hbm4b:s0+s4], $0x7D0, $0x38;
	[tilespmem:$0x17020] =	vst v63  }
.Ltmp4:
0x49: {  	_ = 	snop;
	(pc) =	sbr.rel .LBB2_3-.Ltmp4, $4  }
0x4a: {  	_ =	swait.ge [sflag:s18], $0x7D0  }
0x4b: {  	[sflag:s18] =	ssyncset.done $0x0  }
0x4c: {  	s30 =	simm.s32 $0x1;
	s31 =	simm.s32 $0x138D0;
	[sflag:s18] =	ssyncadd.s32 $0xFFFFF830  }
0x4d: {  	[tilespmem:s20], [sflag:$0x1] =	stream.indirect.gather [spmem:s1], $0x40, s17, s19, $0xb8;
	[tilespmem:$0x17020] =	vst v63  }
.LBB2_4:
0x4e: {  	p2 =	seq.s32 s2, $0x0  }
0x4f: {  	p3 =	seq.s32 @!p2 s2, $0x18  }
0x50: {  	p2 =	por p2, p3  }
.Ltmp5:
0x51: {  	_ = 	snop;
	(pc) =	sbr.rel @!p2 .LBB2_5-.Ltmp5, $1  }
0x52: {  	_ =	sdelay $0x3  }
.LBB2_7:
0x53: {  	[tilespmem:s22], [sflag:$0x2] =	stream.indirect.gather [spmem:s1], $0x40, s31, s19, $0xb8;
	[tilespmem:$0x17020] =	vst v63  }
.LBB2_8:
0x54: {  	s0 =	simm.s32 @p1 $0x2  }
0x55: {  	_ =	swait.ge @p1 [sflag:s0], $0x1400  }
0x56: {  	[sflag:s0] =	ssyncset.done @p1 $0x0  }
0x57: {  	s2 =	simm.s32 @p1 $0x15C20;
	[sflag:s0] =	ssyncadd.s32 @p1 $0xFFFFEC00;
	s0 =	simm.s32 @p1 $0x50  }
0x58: {  	[spmem:s3] =	stream.indirect.scatter.add.f32 @p1 [tilespmem:s2], [sflag:$0x4], $0x40, s29, s0, $0xb8;
	[tilespmem:$0x17020] =	vst v63  }
0x59: {  	s0 =	simm.s32 @!p1 $0x1  }
0x5a: {  	_ =	swait.ge @!p1 [sflag:s0], $0x1400  }
0x5b: {  	s30 =	sadd.s32 $0x1, s30;
	[sflag:s0] =	ssyncset.done @!p1 $0x0  }
0x5c: {  	s2 =	simm.s32 @!p1 $0x14820;
	[sflag:s0] =	ssyncadd.s32 @!p1 $0xFFFFEC00;
	s0 =	simm.s32 @!p1 $0x50  }
0x5d: {  	[spmem:s3] =	stream.indirect.scatter.add.f32 @!p1 [tilespmem:s2], [sflag:$0x3], $0x40, s29, s0, $0xb8;
	[tilespmem:$0x17020] =	vst v63  }
0x5e: {  	p1 =	sne.s32 s30, $0x19  }
.Ltmp6:
0x5f: {  	_ = 	snop;
	(pc) =	sbr.rel @!p1 .LBB2_9-.Ltmp6, $2  }
0x60: {  	_ =	sdelay $0x2  }
0x61: {  	s31 =	sadd.s32 $0x50, s31;
	s29 =	sadd.s32 $0x50, s29  }
.LBB2_3:
0x62: {  	s2 =	sadd.s32 $0xFFFFFFFF, s30;
	s0 =	sand.u32 $0x1, s30  }
0x63: {  	s9 =	sand.u32 $0x1, s2;
	p3 =	seq.s32 s0, $0x0  }
.Ltmp7:
0x64: {  	p2 =	seq.s32 s9, $0x0;
	(pc) =	sbr.rel @p3 .LBB2_6-.Ltmp7, $4  }
.Ltmp8:
0x65: {  	s10 =	simm.s32 @!p2 $0x3;
	(pc) =	sbr.rel @!p3 .LBB2_4-.Ltmp8, $4  }
0x66: {  	_ =	swait.ge @!p2 [sflag:s10], $0x1400  }
0x67: {  	[sflag:s10] =	ssyncset.done @!p2 $0x0  }
0x68: {  	p1 =	seq.s32 s9, $0x1;
	[sflag:s10] =	ssyncadd.s32 @!p2 $0xFFFFEC00  }
0x69: {  	_ = 	snop  }
.LBB2_5:
0x6a: {  	_ =	swait.ge [sflag:s21], $0x1400  }
0x6b: {  	[sflag:s21] =	ssyncset.done $0x0  }
0x6c: {  	[sflag:s21] =	ssyncadd.s32 $0xFFFFEC00  }
.LBB2_6:
0x6d: {  	p2 =	seq.s32 s0, $0x1  }
.Ltmp9:
0x6e: {  	_ = 	snop;
	(pc) =	sbr.rel @!p2 .LBB2_8-.Ltmp9, $4  }
.Ltmp10:
0x6f: {  	_ = 	snop;
	(pc) =	sbr.rel @p2 .LBB2_7-.Ltmp10, $4  }
0x70: {  	_ = 	snop  }
0x71: {  	s2 =	simm.s32 @p1 $0x50;
	s9 =	simm.s32 @p1 $0x14820  }
0x72: {  	[tilespmem:s9], [sflag:$0x1] =	stream.indirect.gather @p1 [spmem:s1], $0x40, s31, s2, $0xb8;
	[tilespmem:$0x17020] =	vst v63  }
0x73: {  	_ = 	snop  }
.LBB2_11:
0x74: {  	_ =	sfence.sel $0x180000  }
0x75: {  	[bflag:$0x0] =	sbarrier.arrive $0xFFFF  }
0x76: {  	_ =	strace $0x90000047  }
0x77: {  	s0 =	stileid.u32;
	[bflag:$0x2] =	sbarrier.arrive $0xFFFF  }
0x78: {  	p0 =	sne.s32 s0, $0x0;
	s0 =	rddreg [dreg:$0x5]  }
0x79: {  	s0 =	sadd.s32 @!p0 $0x100000, s0  }
0x7a: {  	[sflag:s0] =	ssyncadd.tile.s32 @!p0 $0x1;
	_ =	shalt  }
.Lfunc_end2:
_tile_overlayer_lowered:
.L_overlay_start_2:
0x7b: {  	(tag) =	ssettag $0x2  }
0x7c: {  	s0 =	rddreg [dreg:$0x0];
	s2 =	stileid.u32  }
0x7d: {  	s1 =	rddreg [dreg:$0x1];
	p0 =	sne.s32 s2, $0x0  }
0x7e: {  	s3 =	rddreg [dreg:$0x2];
	[bflag:$0x3] =	sbarrier.arrive $0xFFFF;
	s2 =	simm.s32 @!p0 $0x1C05  }
0x7f: {  	[timem:s3], [sflag:s2] =	dma.local @!p0 [hbm:s0], s1  }
0x80: {  	s0 =	simm.s32 @!p0 $0x5  }
0x81: {  	_ =	swait.ge @!p0 [sflag:s0], s1  }
0x82: {  	s1 =	ssub.s32 @!p0 $0x0, s1;
	[sflag:s0] =	ssyncset.done @!p0 $0x0  }
0x83: {  	[sflag:s0] =	ssyncadd.s32 @!p0 s1  }
0x84: {  	[bflag:$0x3] =	sbarrier.arrive $0xFFFF  }
0x85: {  	_ =	shalt  }

</sc_bundles>
